<compile_context>
chip_gen: v7x
topology: tpu7x:2x2x1
jax: 0.10.2.dev20260603
libtpu: 0.0.44.dev20260713+nightly
codegen_flags: <defaults>
</compile_context>

<pallas_src>
import functools

import jax
import jax.numpy as jnp
from jax import lax
from jax.experimental import pallas as pl
from jax.experimental.pallas import tpu as pltpu
from jax.experimental.pallas import tpu_sc as plsc

N_NODES = 10000
N_EDGES = 320000
D = 128

NC = 2
NS = 16
NW = NC * NS
EPT = N_EDGES // NW
N_PAD = 10240
ROWS_PT = N_PAD // NS

def _sc_degree_body(dst_hbm, deg_part_hbm, idx_v, hist_v):
    c = lax.axis_index("c")
    s = lax.axis_index("s")
    wid = s * NC + c
    pltpu.sync_copy(dst_hbm.at[pl.ds(wid * EPT_P, EPT_P)], idx_v)

    ones = jnp.ones((16,), jnp.float32)
    zeros = jnp.zeros((16,), jnp.float32)

    @pl.loop(0, N_PAD // 16)
    def _zero(col):
        hist_v[pl.ds(col * 16, 16)] = zeros

    @pl.loop(0, EPT_P // 16)
    def _scan(e):
        idx16 = idx_v[pl.ds(e * 16, 16)]
        plsc.addupdate_scatter(hist_v, [idx16], ones)

    pltpu.sync_copy(hist_v, deg_part_hbm.at[wid])


_sc_degree = functools.partial(
    pl.kernel,
    out_type=jax.ShapeDtypeStruct((NW, N_PAD), jnp.float32),
    mesh=plsc.VectorSubcoreMesh(core_axis_name="c", subcore_axis_name="s",
                                num_cores=NC, num_subcores=NS),
    scratch_types=[
        pltpu.VMEM((N_PAD,), jnp.int32),
        pltpu.VMEM((N_PAD,), jnp.float32),
    ],
    compiler_params=pltpu.CompilerParams(needs_layout_passes=False),
)(_sc_degree_body)


def _tc_prep_body(deg_ref, data_ref, w_ref, y_ref, dinv_ref):
    deg = jnp.sum(deg_ref[...], axis=0)[:N_NODES] + 1.0
    dinv = lax.rsqrt(deg)[:, None]
    xw = jnp.dot(data_ref[...], w_ref[...],
                 preferred_element_type=jnp.float32)
    y_ref[...] = xw * dinv
    dinv_ref[...] = dinv


def _tc_prep(deg_part, data, W):
    return pl.pallas_call(
        _tc_prep_body,
        out_shape=[
            jax.ShapeDtypeStruct((N_NODES, D), jnp.float32),
            jax.ShapeDtypeStruct((N_NODES, 1), jnp.float32),
        ],
    )(deg_part, data, W)


G = 128
EPT_P = 10240
NCHUNK = EPT_P // G
E_PAD = NW * EPT_P


def _sc_scatter_body(src_hbm, dst_hbm, y_hbm, zeros_hbm, part_hbm,
                     sidx_a, sidx_b, didx_a, didx_b, rows_a, rows_b,
                     si_a, si_b, sd_a, sd_b, sg_a, sg_b, acc_sh):
    c = lax.axis_index("c")
    s = lax.axis_index("s")
    wid = s * NC + c
    base = wid * EPT_P

    pltpu.sync_copy(zeros_hbm, acc_sh.at[pl.ds(s * ROWS_PT, ROWS_PT), :])

    plsc.subcore_barrier()

    def start_i(i, sidx, didx, si, sd):
        pltpu.async_copy(src_hbm.at[pl.ds(base + i * G, G)], sidx, si)
        pltpu.async_copy(dst_hbm.at[pl.ds(base + i * G, G)], didx, sd)

    def wait_i(sidx, didx, si, sd):
        pltpu.make_async_copy(src_hbm.at[pl.ds(0, G)], sidx, si).wait()
        pltpu.make_async_copy(dst_hbm.at[pl.ds(0, G)], didx, sd).wait()

    def start_g(sidx, rows, sg):
        pltpu.async_copy(y_hbm.at[sidx], rows, sg)

    def wait_g(sidx, rows, sg):
        pltpu.make_async_copy(y_hbm.at[sidx], rows, sg).wait()

    start_i(0, sidx_a, didx_a, si_a, sd_a)
    start_i(1, sidx_b, didx_b, si_b, sd_b)
    wait_i(sidx_a, didx_a, si_a, sd_a)
    start_g(sidx_a, rows_a, sg_a)

    @pl.loop(0, NCHUNK, step=2)
    def _chunk(i):
        wait_i(sidx_b, didx_b, si_b, sd_b)
        start_g(sidx_b, rows_b, sg_b)
        wait_g(sidx_a, rows_a, sg_a)
        pltpu.sync_copy(rows_a, acc_sh.at[didx_a], add=True)
        start_i(i + 2, sidx_a, didx_a, si_a, sd_a)
        wait_i(sidx_a, didx_a, si_a, sd_a)
        start_g(sidx_a, rows_a, sg_a)
        wait_g(sidx_b, rows_b, sg_b)
        pltpu.sync_copy(rows_b, acc_sh.at[didx_b], add=True)
        start_i(i + 3, sidx_b, didx_b, si_b, sd_b)

    wait_g(sidx_a, rows_a, sg_a)
    wait_i(sidx_b, didx_b, si_b, sd_b)

    plsc.subcore_barrier()

    pltpu.sync_copy(acc_sh.at[pl.ds(s * ROWS_PT, ROWS_PT), :],
                    part_hbm.at[c, pl.ds(s * ROWS_PT, ROWS_PT), :])


_sc_scatter = functools.partial(
    pl.kernel,
    out_type=jax.ShapeDtypeStruct((NC, N_PAD, D), jnp.float32),
    mesh=plsc.VectorSubcoreMesh(core_axis_name="c", subcore_axis_name="s",
                                num_cores=NC, num_subcores=NS),
    scratch_types=[
        pltpu.VMEM((G,), jnp.int32),
        pltpu.VMEM((G,), jnp.int32),
        pltpu.VMEM((G,), jnp.int32),
        pltpu.VMEM((G,), jnp.int32),
        pltpu.VMEM((G, D), jnp.float32),
        pltpu.VMEM((G, D), jnp.float32),
        pltpu.SemaphoreType.DMA,
        pltpu.SemaphoreType.DMA,
        pltpu.SemaphoreType.DMA,
        pltpu.SemaphoreType.DMA,
        pltpu.SemaphoreType.DMA,
        pltpu.SemaphoreType.DMA,
        pltpu.VMEM_SHARED((N_PAD, D), jnp.float32),
    ],
)(_sc_scatter_body)


def _tc_finish_body(part_ref, y_ref, dinv_ref, b_ref, g_ref, beta_ref,
                    o_ref):
    s = part_ref[0, :N_NODES] + part_ref[1, :N_NODES] + y_ref[...]
    pre = s * dinv_ref[...] + b_ref[...]
    r = jnp.maximum(pre, 0.0)
    mean = jnp.mean(r, axis=0, keepdims=True)
    var = jnp.mean((r - mean) ** 2, axis=0, keepdims=True)
    o_ref[...] = (r - mean) / jnp.sqrt(var + 1e-5) * g_ref[...] + beta_ref[...]


def _tc_finish(part, y, dinv, b, g, beta):
    return pl.pallas_call(
        _tc_finish_body,
        out_shape=jax.ShapeDtypeStruct((N_NODES, D), jnp.float32),
    )(part, y, dinv, b, g, beta)


def kernel(data, edge_index, W, b, bn_gamma, bn_beta):
    src = edge_index[0].astype(jnp.int32)
    dst = edge_index[1].astype(jnp.int32)
    zeros_rows = jnp.zeros((ROWS_PT, D), jnp.float32)
    ppt = EPT_P - EPT
    pad_src = jnp.broadcast_to(
        (jnp.arange(ppt, dtype=jnp.int32) * 41) % N_NODES, (NW, ppt))
    pad_dst = jnp.broadcast_to(
        N_NODES + (jnp.arange(ppt, dtype=jnp.int32) % (N_PAD - N_NODES)),
        (NW, ppt))
    src_p = jnp.concatenate(
        [src.reshape(NW, EPT), pad_src], axis=1).reshape(-1)
    dst_p = jnp.concatenate(
        [dst.reshape(NW, EPT), pad_dst], axis=1).reshape(-1)
    tail = jnp.zeros((2 * G,), jnp.int32)
    src_p = jnp.concatenate([src_p, tail])
    dst_p = jnp.concatenate([dst_p, N_NODES + tail])
    deg_part = _sc_degree(dst_p)
    y, dinv = _tc_prep(deg_part, data, W)
    part = _sc_scatter(src_p, dst_p, y, zeros_rows)
    return _tc_finish(part, y, dinv, b.reshape(1, D),
                      bn_gamma.reshape(1, D), bn_beta.reshape(1, D))

# --- scband reference (transcript-rebuilt; emitter-appended) ---
"""Pipeline reference for scband-gcnblock-4887672783235 (READ-ONLY COPY).

The authoritative reference and input builder live on the scoring server;
editing this copy changes nothing except your own understanding.
"""

import jax, jax.numpy as jnp
import numpy as np

N_NODES = 10000
N_EDGES = 320000
D_IN = 128
D_OUT = 128

def setup_inputs(seed: int = 0) -> dict:
    key = jax.random.key(seed)
    k1, k2, k3, k4 = jax.random.split(key, 4)
    data = jax.random.normal(k1, (N_NODES, D_IN), dtype=jnp.float32)
    edge_index = jax.random.randint(k2, (2, N_EDGES), 0, N_NODES, dtype=jnp.int64)
    W = jax.random.normal(k3, (D_IN, D_OUT), dtype=jnp.float32) * 0.05
    b = jnp.zeros((D_OUT,), dtype=jnp.float32)
    bn_gamma = jnp.ones((D_OUT,), dtype=jnp.float32)
    bn_beta = jnp.zeros((D_OUT,), dtype=jnp.float32)
    return {"data": data, "edge_index": edge_index, "W": W, "b": b, "bn_gamma": bn_gamma, "bn_beta": bn_beta}

def reference(data, edge_index, W, b, bn_gamma, bn_beta):
    N = data.shape[0]
    # --- GCNConv with symmetric normalization and self-loops (PyG default) ---
    loop = jnp.arange(N, dtype=edge_index.dtype)
    src = jnp.concatenate([edge_index[0], loop])
    dst = jnp.concatenate([edge_index[1], loop])
    xw = data @ W  # linear transform first
    deg = jnp.zeros((N,), dtype=jnp.float32).at[dst].add(1.0)
    deg_inv_sqrt = jnp.where(deg > 0, 1.0 / jnp.sqrt(deg), 0.0)
    norm = deg_inv_sqrt[src] * deg_inv_sqrt[dst]
    msg = xw[src] * norm[:, None]
    out = jnp.zeros((N, W.shape[1]), dtype=jnp.float32).at[dst].add(msg)
    out = out + b
    # --- ReLU ---
    out = jnp.maximum(out, 0.0)
    # --- BatchNorm over node dimension (training-mode batch statistics) ---
    mean = jnp.mean(out, axis=0)
    var = jnp.var(out, axis=0)
    out = (out - mean) / jnp.sqrt(var + 1e-5) * bn_gamma + bn_beta
    # --- Dropout: identity in eval / deterministic reference ---
    return out

if __name__ == "__main__":
    import jax
    _d = setup_inputs()
    print(jax.jit(kernel)(*tuple(_d.values())))

</pallas_src>

<mosaic_0001>
#map = affine_map<(d0, d1) -> (0)>
#map1 = affine_map<(d0, d1) -> (0, 0)>
module attributes {stable_mosaic.version = 14 : i64} {
  func.func @_sc_degree_body(%arg0: i32, %arg1: i32, %arg2: memref<327936xi32, #tpu.memory_space<hbm>>, %arg3: memref<32x10240xf32, #tpu.memory_space<hbm>>, %arg4: memref<10240xi32, #tpu.memory_space<vmem>>, %arg5: memref<10240xf32, #tpu.memory_space<vmem>>) attributes {dimension_semantics = [#tpu.dimension_semantics<core_parallel>, #tpu.dimension_semantics<subcore_parallel>], iteration_bounds = array<i64: 2, 16>, scalar_prefetch = 0 : i64, scratch_operands = 2 : i64, tpu.core_type = #tpu.core_type<sc_vector_subcore>, window_params = [{transform_indices = #map}, {transform_indices = #map1}]} {
    %mul3A = arith.constant 2 : i32
    %mul3A_0 = arith.muli %arg1, %mul3A : i32
    %add3A = arith.addi %mul3A_0, %arg0 : i32
    %mul3A_1 = arith.constant 10240 : i32
    %mul3A_2 = arith.muli %add3A, %mul3A_1 : i32
    "tpu.region"() ({
      %run_scoped3A = tpu.sem_alloc : memref<!tpu.dma_semaphore, #tpu.memory_space<semaphore_mem>>
      %dma_start3A = tpu.memref_slice %arg2[%mul3A_2] : memref<327936xi32, #tpu.memory_space<hbm>> -> memref<10240xi32, #tpu.memory_space<hbm>>
      %dma_start3A_15 = tpu.memref_slice %arg2[%mul3A_2] : memref<327936xi32, #tpu.memory_space<hbm>> -> memref<10240xi32, #tpu.memory_space<hbm>>
      tpu.enqueue_dma source(%dma_start3A_15 : memref<10240xi32, #tpu.memory_space<hbm>>) target(%arg4 : memref<10240xi32, #tpu.memory_space<vmem>>) target_semaphore(%run_scoped3A : memref<!tpu.dma_semaphore, #tpu.memory_space<semaphore_mem>>)
      %dma_wait3A = tpu.memref_slice %arg2[%mul3A_2] : memref<327936xi32, #tpu.memory_space<hbm>> -> memref<10240xi32, #tpu.memory_space<hbm>>
      %dma_wait3A_16 = tpu.memref_slice %arg2[%mul3A_2] : memref<327936xi32, #tpu.memory_space<hbm>> -> memref<10240xi32, #tpu.memory_space<hbm>>
      tpu.wait_dma2 semaphore(%run_scoped3A : memref<!tpu.dma_semaphore, #tpu.memory_space<semaphore_mem>>) src(%dma_wait3A_16 : memref<10240xi32, #tpu.memory_space<hbm>>) dst(%arg4 : memref<10240xi32, #tpu.memory_space<vmem>>)
      tpu.yield
    }) : () -> ()
    %broadcast_in_dim3A = arith.constant 1.000000e+00 : f32
    %broadcast_in_dim3A_3 = vector.broadcast %broadcast_in_dim3A : f32 to vector<16xf32>
    %broadcast_in_dim3A_4 = arith.constant 0.000000e+00 : f32
    %broadcast_in_dim3A_5 = vector.broadcast %broadcast_in_dim3A_4 : f32 to vector<16xf32>
    %scan3A = arith.constant 0 : i32
    %scan3A_6 = arith.constant 640 : i32
    %scan3A_7 = arith.addi %scan3A, %scan3A_6 : i32
    %scan3A_8 = arith.constant 1 : i32
    scf.for %scan3A_15 = %scan3A to %scan3A_7 step %scan3A_8  : i32 {
      %mul3A_16 = arith.constant 1 : i32
      %mul3A_17 = arith.muli %scan3A_15, %mul3A_16 : i32
      %add3A_18 = arith.constant 0 : i32
      %add3A_19 = arith.addi %add3A_18, %mul3A_17 : i32
      %mul3A_20 = arith.constant 16 : i32
      %mul3A_21 = arith.muli %add3A_19, %mul3A_20 : i32
      %swap3A = arith.index_cast %mul3A_21 : i32 to index
      %swap3A_22 = tpu.vector_load %arg5[%swap3A] {strides = array<i32>} : memref<10240xf32, #tpu.memory_space<vmem>>, vector<16xf32>,
      tpu.vector_store %arg5[%swap3A], %broadcast_in_dim3A_5 {strides = array<i32>} : memref<10240xf32, #tpu.memory_space<vmem>>, vector<16xf32>,
    }
    %scan3A_9 = arith.constant 640 : i32
    %scan3A_10 = arith.constant 0 : i32
    %scan3A_11 = arith.constant 640 : i32
    %scan3A_12 = arith.addi %scan3A_10, %scan3A_11 : i32
    %scan3A_13 = arith.constant 1 : i32
    scf.for %scan3A_15 = %scan3A_10 to %scan3A_12 step %scan3A_13  : i32 {
      %mul3A_16 = arith.constant 1 : i32
      %mul3A_17 = arith.muli %scan3A_15, %mul3A_16 : i32
      %add3A_18 = arith.constant 0 : i32
      %add3A_19 = arith.addi %add3A_18, %mul3A_17 : i32
      %mul3A_20 = arith.constant 16 : i32
      %mul3A_21 = arith.muli %add3A_19, %mul3A_20 : i32
      %get3A = arith.index_cast %mul3A_21 : i32 to index
      %get3A_22 = tpu.vector_load %arg4[%get3A] {strides = array<i32>} : memref<10240xi32, #tpu.memory_space<vmem>>, vector<16xi32>,
      tpu.vector_store_idx %arg5[%get3A_22], %broadcast_in_dim3A_3 {add = true} : memref<10240xf32, #tpu.memory_space<vmem>>[vector<16xi32>], vector<16xf32>,
    }
    %scan3A_14 = arith.constant 640 : i32
    "tpu.region"() ({
      %run_scoped3A = tpu.sem_alloc : memref<!tpu.dma_semaphore, #tpu.memory_space<semaphore_mem>>
      %dma_start3A = arith.constant 0 : i32
      %dma_start3A_15 = tpu.memref_slice %arg3[%add3A, %dma_start3A] : memref<32x10240xf32, #tpu.memory_space<hbm>> -> memref<1x10240xf32, #tpu.memory_space<hbm>>
      %dma_start3A_16 = tpu.memref_squeeze %dma_start3A_15 : memref<1x10240xf32, #tpu.memory_space<hbm>> -> memref<10240xf32, #tpu.memory_space<hbm>>
      %dma_start3A_17 = arith.constant 0 : i32
      %dma_start3A_18 = tpu.memref_slice %arg3[%add3A, %dma_start3A_17] : memref<32x10240xf32, #tpu.memory_space<hbm>> -> memref<1x10240xf32, #tpu.memory_space<hbm>>
      %dma_start3A_19 = tpu.memref_squeeze %dma_start3A_18 : memref<1x10240xf32, #tpu.memory_space<hbm>> -> memref<10240xf32, #tpu.memory_space<hbm>>
      tpu.enqueue_dma source(%arg5 : memref<10240xf32, #tpu.memory_space<vmem>>) target(%dma_start3A_19 : memref<10240xf32, #tpu.memory_space<hbm>>) target_semaphore(%run_scoped3A : memref<!tpu.dma_semaphore, #tpu.memory_space<semaphore_mem>>)
      %dma_wait3A = arith.constant 0 : i32
      %dma_wait3A_20 = tpu.memref_slice %arg3[%add3A, %dma_wait3A] : memref<32x10240xf32, #tpu.memory_space<hbm>> -> memref<1x10240xf32, #tpu.memory_space<hbm>>
      %dma_wait3A_21 = tpu.memref_squeeze %dma_wait3A_20 : memref<1x10240xf32, #tpu.memory_space<hbm>> -> memref<10240xf32, #tpu.memory_space<hbm>>
      %dma_wait3A_22 = arith.constant 0 : i32
      %dma_wait3A_23 = tpu.memref_slice %arg3[%add3A, %dma_wait3A_22] : memref<32x10240xf32, #tpu.memory_space<hbm>> -> memref<1x10240xf32, #tpu.memory_space<hbm>>
      %dma_wait3A_24 = tpu.memref_squeeze %dma_wait3A_23 : memref<1x10240xf32, #tpu.memory_space<hbm>> -> memref<10240xf32, #tpu.memory_space<hbm>>
      tpu.wait_dma2 semaphore(%run_scoped3A : memref<!tpu.dma_semaphore, #tpu.memory_space<semaphore_mem>>) src(%arg5 : memref<10240xf32, #tpu.memory_space<vmem>>) dst(%dma_wait3A_24 : memref<10240xf32, #tpu.memory_space<hbm>>)
      tpu.yield
    }) : () -> ()
    return
  }
}

#map = affine_map<(d0, d1) -> (0)>
#map1 = affine_map<(d0, d1) -> (0, 0)>
#map2 = affine_map<(d0, d1) -> (0, 0, 0)>
module attributes {stable_mosaic.version = 14 : i64} {
  func.func @_sc_scatter_body(%arg0: i32, %arg1: i32, %arg2: memref<327936xi32, #tpu.memory_space<hbm>>, %arg3: memref<327936xi32, #tpu.memory_space<hbm>>, %arg4: memref<10000x128xf32, #tpu.memory_space<hbm>>, %arg5: memref<640x128xf32, #tpu.memory_space<hbm>>, %arg6: memref<2x10240x128xf32, #tpu.memory_space<hbm>>, %arg7: memref<128xi32, #tpu.memory_space<vmem>>, %arg8: memref<128xi32, #tpu.memory_space<vmem>>, %arg9: memref<128xi32, #tpu.memory_space<vmem>>, %arg10: memref<128xi32, #tpu.memory_space<vmem>>, %arg11: memref<128x128xf32, #tpu.memory_space<vmem>>, %arg12: memref<128x128xf32, #tpu.memory_space<vmem>>, %arg13: memref<!tpu.dma_semaphore, #tpu.memory_space<semaphore_mem>>, %arg14: memref<!tpu.dma_semaphore, #tpu.memory_space<semaphore_mem>>, %arg15: memref<!tpu.dma_semaphore, #tpu.memory_space<semaphore_mem>>, %arg16: memref<!tpu.dma_semaphore, #tpu.memory_space<semaphore_mem>>, %arg17: memref<!tpu.dma_semaphore, #tpu.memory_space<semaphore_mem>>, %arg18: memref<!tpu.dma_semaphore, #tpu.memory_space<semaphore_mem>>, %arg19: memref<10240x128xf32, #tpu.memory_space<vmem_shared>>) attributes {dimension_semantics = [#tpu.dimension_semantics<core_parallel>, #tpu.dimension_semantics<subcore_parallel>], iteration_bounds = array<i64: 2, 16>, scalar_prefetch = 0 : i64, scratch_operands = 13 : i64, tpu.core_type = #tpu.core_type<sc_vector_subcore>, window_params = [{transform_indices = #map}, {transform_indices = #map}, {transform_indices = #map1}, {transform_indices = #map1}, {transform_indices = #map2}]} {
    %mul3A = arith.constant 2 : i32
    %mul3A_0 = arith.muli %arg1, %mul3A : i32
    %add3A = arith.addi %mul3A_0, %arg0 : i32
    %mul3A_1 = arith.constant 10240 : i32
    %mul3A_2 = arith.muli %add3A, %mul3A_1 : i32
    %mul3A_3 = arith.constant 640 : i32
    %mul3A_4 = arith.muli %arg1, %mul3A_3 : i32
    "tpu.region"() ({
      %run_scoped3A = tpu.sem_alloc : memref<!tpu.dma_semaphore, #tpu.memory_space<semaphore_mem>>
      %dma_start3A_50 = arith.constant 0 : i32
      %dma_start3A_51 = tpu.memref_slice %arg19[%mul3A_4, %dma_start3A_50] : memref<10240x128xf32, #tpu.memory_space<vmem_shared>> -> memref<640x128xf32, #tpu.memory_space<vmem_shared>>
      tpu.enqueue_dma source(%arg5 : memref<640x128xf32, #tpu.memory_space<hbm>>) target(%dma_start3A_51 : memref<640x128xf32, #tpu.memory_space<vmem_shared>>) target_semaphore(%run_scoped3A : memref<!tpu.dma_semaphore, #tpu.memory_space<semaphore_mem>>)
      %dma_wait3A_52 = arith.constant 0 : i32
      %dma_wait3A_53 = tpu.memref_slice %arg19[%mul3A_4, %dma_wait3A_52] : memref<10240x128xf32, #tpu.memory_space<vmem_shared>> -> memref<640x128xf32, #tpu.memory_space<vmem_shared>>
      tpu.wait_dma2 semaphore(%run_scoped3A : memref<!tpu.dma_semaphore, #tpu.memory_space<semaphore_mem>>) src(%arg5 : memref<640x128xf32, #tpu.memory_space<hbm>>) dst(%dma_wait3A_53 : memref<640x128xf32, #tpu.memory_space<vmem_shared>>)
      tpu.yield
    }) : () -> ()
    %barrier3A = arith.constant 0 : index
    tpu.barrier barrier_id(%barrier3A)
    %add3A_5 = arith.constant 0 : i32
    %add3A_6 = arith.addi %mul3A_2, %add3A_5 : i32
    %dma_start3A = tpu.memref_slice %arg2[%add3A_6] : memref<327936xi32, #tpu.memory_space<hbm>> -> memref<128xi32, #tpu.memory_space<hbm>>
    %dma_start3A_7 = tpu.memref_slice %arg2[%add3A_6] : memref<327936xi32, #tpu.memory_space<hbm>> -> memref<128xi32, #tpu.memory_space<hbm>>
    tpu.enqueue_dma source(%dma_start3A_7 : memref<128xi32, #tpu.memory_space<hbm>>) target(%arg7 : memref<128xi32, #tpu.memory_space<vmem>>) target_semaphore(%arg13 : memref<!tpu.dma_semaphore, #tpu.memory_space<semaphore_mem>>)
    %add3A_8 = arith.constant 0 : i32
    %add3A_9 = arith.addi %mul3A_2, %add3A_8 : i32
    %dma_start3A_10 = tpu.memref_slice %arg3[%add3A_9] : memref<327936xi32, #tpu.memory_space<hbm>> -> memref<128xi32, #tpu.memory_space<hbm>>
    %dma_start3A_11 = tpu.memref_slice %arg3[%add3A_9] : memref<327936xi32, #tpu.memory_space<hbm>> -> memref<128xi32, #tpu.memory_space<hbm>>
    tpu.enqueue_dma source(%dma_start3A_11 : memref<128xi32, #tpu.memory_space<hbm>>) target(%arg9 : memref<128xi32, #tpu.memory_space<vmem>>) target_semaphore(%arg15 : memref<!tpu.dma_semaphore, #tpu.memory_space<semaphore_mem>>)
    %add3A_12 = arith.constant 128 : i32
    %add3A_13 = arith.addi %mul3A_2, %add3A_12 : i32
    %dma_start3A_14 = tpu.memref_slice %arg2[%add3A_13] : memref<327936xi32, #tpu.memory_space<hbm>> -> memref<128xi32, #tpu.memory_space<hbm>>
    %dma_start3A_15 = tpu.memref_slice %arg2[%add3A_13] : memref<327936xi32, #tpu.memory_space<hbm>> -> memref<128xi32, #tpu.memory_space<hbm>>
    tpu.enqueue_dma source(%dma_start3A_15 : memref<128xi32, #tpu.memory_space<hbm>>) target(%arg8 : memref<128xi32, #tpu.memory_space<vmem>>) target_semaphore(%arg14 : memref<!tpu.dma_semaphore, #tpu.memory_space<semaphore_mem>>)
    %add3A_16 = arith.constant 128 : i32
    %add3A_17 = arith.addi %mul3A_2, %add3A_16 : i32
    %dma_start3A_18 = tpu.memref_slice %arg3[%add3A_17] : memref<327936xi32, #tpu.memory_space<hbm>> -> memref<128xi32, #tpu.memory_space<hbm>>
    %dma_start3A_19 = tpu.memref_slice %arg3[%add3A_17] : memref<327936xi32, #tpu.memory_space<hbm>> -> memref<128xi32, #tpu.memory_space<hbm>>
    tpu.enqueue_dma source(%dma_start3A_19 : memref<128xi32, #tpu.memory_space<hbm>>) target(%arg10 : memref<128xi32, #tpu.memory_space<vmem>>) target_semaphore(%arg16 : memref<!tpu.dma_semaphore, #tpu.memory_space<semaphore_mem>>)
    %dma_wait3A = arith.constant 0 : i32
    %dma_wait3A_20 = tpu.memref_slice %arg2[%dma_wait3A] : memref<327936xi32, #tpu.memory_space<hbm>> -> memref<128xi32, #tpu.memory_space<hbm>>
    %dma_wait3A_21 = arith.constant 0 : i32
    %dma_wait3A_22 = tpu.memref_slice %arg2[%dma_wait3A_21] : memref<327936xi32, #tpu.memory_space<hbm>> -> memref<128xi32, #tpu.memory_space<hbm>>
    tpu.wait_dma2 semaphore(%arg13 : memref<!tpu.dma_semaphore, #tpu.memory_space<semaphore_mem>>) src(%dma_wait3A_22 : memref<128xi32, #tpu.memory_space<hbm>>) dst(%arg7 : memref<128xi32, #tpu.memory_space<vmem>>)
    %dma_wait3A_23 = arith.constant 0 : i32
    %dma_wait3A_24 = tpu.memref_slice %arg3[%dma_wait3A_23] : memref<327936xi32, #tpu.memory_space<hbm>> -> memref<128xi32, #tpu.memory_space<hbm>>
    %dma_wait3A_25 = arith.constant 0 : i32
    %dma_wait3A_26 = tpu.memref_slice %arg3[%dma_wait3A_25] : memref<327936xi32, #tpu.memory_space<hbm>> -> memref<128xi32, #tpu.memory_space<hbm>>
    tpu.wait_dma2 semaphore(%arg15 : memref<!tpu.dma_semaphore, #tpu.memory_space<semaphore_mem>>) src(%dma_wait3A_26 : memref<128xi32, #tpu.memory_space<hbm>>) dst(%arg9 : memref<128xi32, #tpu.memory_space<vmem>>)
    %dma_start3A_27 = arith.constant 0 : i32
    %dma_start3A_28 = arith.constant 0 : i32
    %dma_start3A_29 = tpu.memref_slice %arg4[%dma_start3A_27, %dma_start3A_28] : memref<10000x128xf32, #tpu.memory_space<hbm>> -> memref<10000x128xf32, #tpu.memory_space<hbm>>
    tpu.enqueue_indirect_dma source(%dma_start3A_29 : memref<10000x128xf32, #tpu.memory_space<hbm>>) target(%arg11 : memref<128x128xf32, #tpu.memory_space<vmem>>) offsets(%arg7 : memref<128xi32, #tpu.memory_space<vmem>>) semaphore(%arg17 : memref<!tpu.dma_semaphore, #tpu.memory_space<semaphore_mem>>)
    %scan3A = arith.constant 0 : i32
    %scan3A_30 = arith.constant 40 : i32
    %scan3A_31 = arith.addi %scan3A, %scan3A_30 : i32
    %scan3A_32 = arith.constant 1 : i32
    scf.for %scan3A_50 = %scan3A to %scan3A_31 step %scan3A_32  : i32 {
      %mul3A_51 = arith.constant 2 : i32
      %mul3A_52 = arith.muli %scan3A_50, %mul3A_51 : i32
      %add3A_53 = arith.constant 0 : i32
      %add3A_54 = arith.addi %add3A_53, %mul3A_52 : i32
      %dma_wait3A_55 = arith.constant 0 : i32
      %dma_wait3A_56 = tpu.memref_slice %arg2[%dma_wait3A_55] : memref<327936xi32, #tpu.memory_space<hbm>> -> memref<128xi32, #tpu.memory_space<hbm>>
      %dma_wait3A_57 = arith.constant 0 : i32
      %dma_wait3A_58 = tpu.memref_slice %arg2[%dma_wait3A_57] : memref<327936xi32, #tpu.memory_space<hbm>> -> memref<128xi32, #tpu.memory_space<hbm>>
      tpu.wait_dma2 semaphore(%arg14 : memref<!tpu.dma_semaphore, #tpu.memory_space<semaphore_mem>>) src(%dma_wait3A_58 : memref<128xi32, #tpu.memory_space<hbm>>) dst(%arg8 : memref<128xi32, #tpu.memory_space<vmem>>)
      %dma_wait3A_59 = arith.constant 0 : i32
      %dma_wait3A_60 = tpu.memref_slice %arg3[%dma_wait3A_59] : memref<327936xi32, #tpu.memory_space<hbm>> -> memref<128xi32, #tpu.memory_space<hbm>>
      %dma_wait3A_61 = arith.constant 0 : i32
      %dma_wait3A_62 = tpu.memref_slice %arg3[%dma_wait3A_61] : memref<327936xi32, #tpu.memory_space<hbm>> -> memref<128xi32, #tpu.memory_space<hbm>>
      tpu.wait_dma2 semaphore(%arg16 : memref<!tpu.dma_semaphore, #tpu.memory_space<semaphore_mem>>) src(%dma_wait3A_62 : memref<128xi32, #tpu.memory_space<hbm>>) dst(%arg10 : memref<128xi32, #tpu.memory_space<vmem>>)
      %dma_start3A_63 = arith.constant 0 : i32
      %dma_start3A_64 = arith.constant 0 : i32
      %dma_start3A_65 = tpu.memref_slice %arg4[%dma_start3A_63, %dma_start3A_64] : memref<10000x128xf32, #tpu.memory_space<hbm>> -> memref<10000x128xf32, #tpu.memory_space<hbm>>
      tpu.enqueue_indirect_dma source(%dma_start3A_65 : memref<10000x128xf32, #tpu.memory_space<hbm>>) target(%arg12 : memref<128x128xf32, #tpu.memory_space<vmem>>) offsets(%arg8 : memref<128xi32, #tpu.memory_space<vmem>>) semaphore(%arg18 : memref<!tpu.dma_semaphore, #tpu.memory_space<semaphore_mem>>)
      %dma_wait3A_66 = arith.constant 0 : i32
      %dma_wait3A_67 = arith.constant 0 : i32
      %dma_wait3A_68 = tpu.memref_slice %arg4[%dma_wait3A_66, %dma_wait3A_67] : memref<10000x128xf32, #tpu.memory_space<hbm>> -> memref<10000x128xf32, #tpu.memory_space<hbm>>
      tpu.wait_indirect_dma semaphore(%arg17 : memref<!tpu.dma_semaphore, #tpu.memory_space<semaphore_mem>>) src(%dma_wait3A_68 : memref<10000x128xf32, #tpu.memory_space<hbm>>) dst(%arg11 : memref<128x128xf32, #tpu.memory_space<vmem>>)
      "tpu.region"() ({
        %run_scoped3A = tpu.sem_alloc : memref<!tpu.dma_semaphore, #tpu.memory_space<semaphore_mem>>
        %dma_start3A_107 = arith.constant 0 : i32
        %dma_start3A_108 = arith.constant 0 : i32
        %dma_start3A_109 = tpu.memref_slice %arg19[%dma_start3A_107, %dma_start3A_108] : memref<10240x128xf32, #tpu.memory_space<vmem_shared>> -> memref<10240x128xf32, #tpu.memory_space<vmem_shared>>
        tpu.enqueue_indirect_dma source(%arg11 : memref<128x128xf32, #tpu.memory_space<vmem>>) target(%dma_start3A_109 : memref<10240x128xf32, #tpu.memory_space<vmem_shared>>) offsets(%arg9 : memref<128xi32, #tpu.memory_space<vmem>>) semaphore(%run_scoped3A : memref<!tpu.dma_semaphore, #tpu.memory_space<semaphore_mem>>) {add = true}
        %dma_wait3A_110 = arith.constant 0 : i32
        %dma_wait3A_111 = arith.constant 0 : i32
        %dma_wait3A_112 = tpu.memref_slice %arg19[%dma_wait3A_110, %dma_wait3A_111] : memref<10240x128xf32, #tpu.memory_space<vmem_shared>> -> memref<10240x128xf32, #tpu.memory_space<vmem_shared>>
        tpu.wait_indirect_dma semaphore(%run_scoped3A : memref<!tpu.dma_semaphore, #tpu.memory_space<semaphore_mem>>) src(%arg11 : memref<128x128xf32, #tpu.memory_space<vmem>>) dst(%dma_wait3A_112 : memref<10240x128xf32, #tpu.memory_space<vmem_shared>>)
        tpu.yield
      }) : () -> ()
      %add3A_69 = arith.constant 2 : i32
      %add3A_70 = arith.addi %add3A_54, %add3A_69 : i32
      %mul3A_71 = arith.constant 128 : i32
      %mul3A_72 = arith.muli %add3A_70, %mul3A_71 : i32
      %add3A_73 = arith.addi %mul3A_2, %mul3A_72 : i32
      %dma_start3A_74 = tpu.memref_slice %arg2[%add3A_73] : memref<327936xi32, #tpu.memory_space<hbm>> -> memref<128xi32, #tpu.memory_space<hbm>>
      %dma_start3A_75 = tpu.memref_slice %arg2[%add3A_73] : memref<327936xi32, #tpu.memory_space<hbm>> -> memref<128xi32, #tpu.memory_space<hbm>>
      tpu.enqueue_dma source(%dma_start3A_75 : memref<128xi32, #tpu.memory_space<hbm>>) target(%arg7 : memref<128xi32, #tpu.memory_space<vmem>>) target_semaphore(%arg13 : memref<!tpu.dma_semaphore, #tpu.memory_space<semaphore_mem>>)
      %mul3A_76 = arith.constant 128 : i32
      %mul3A_77 = arith.muli %add3A_70, %mul3A_76 : i32
      %add3A_78 = arith.addi %mul3A_2, %mul3A_77 : i32
      %dma_start3A_79 = tpu.memref_slice %arg3[%add3A_78] : memref<327936xi32, #tpu.memory_space<hbm>> -> memref<128xi32, #tpu.memory_space<hbm>>
      %dma_start3A_80 = tpu.memref_slice %arg3[%add3A_78] : memref<327936xi32, #tpu.memory_space<hbm>> -> memref<128xi32, #tpu.memory_space<hbm>>
      tpu.enqueue_dma source(%dma_start3A_80 : memref<128xi32, #tpu.memory_space<hbm>>) target(%arg9 : memref<128xi32, #tpu.memory_space<vmem>>) target_semaphore(%arg15 : memref<!tpu.dma_semaphore, #tpu.memory_space<semaphore_mem>>)
      %dma_wait3A_81 = arith.constant 0 : i32
      %dma_wait3A_82 = tpu.memref_slice %arg2[%dma_wait3A_81] : memref<327936xi32, #tpu.memory_space<hbm>> -> memref<128xi32, #tpu.memory_space<hbm>>
      %dma_wait3A_83 = arith.constant 0 : i32
      %dma_wait3A_84 = tpu.memref_slice %arg2[%dma_wait3A_83] : memref<327936xi32, #tpu.memory_space<hbm>> -> memref<128xi32, #tpu.memory_space<hbm>>
      tpu.wait_dma2 semaphore(%arg13 : memref<!tpu.dma_semaphore, #tpu.memory_space<semaphore_mem>>) src(%dma_wait3A_84 : memref<128xi32, #tpu.memory_space<hbm>>) dst(%arg7 : memref<128xi32, #tpu.memory_space<vmem>>)
      %dma_wait3A_85 = arith.constant 0 : i32
      %dma_wait3A_86 = tpu.memref_slice %arg3[%dma_wait3A_85] : memref<327936xi32, #tpu.memory_space<hbm>> -> memref<128xi32, #tpu.memory_space<hbm>>
      %dma_wait3A_87 = arith.constant 0 : i32
      %dma_wait3A_88 = tpu.memref_slice %arg3[%dma_wait3A_87] : memref<327936xi32, #tpu.memory_space<hbm>> -> memref<128xi32, #tpu.memory_space<hbm>>
      tpu.wait_dma2 semaphore(%arg15 : memref<!tpu.dma_semaphore, #tpu.memory_space<semaphore_mem>>) src(%dma_wait3A_88 : memref<128xi32, #tpu.memory_space<hbm>>) dst(%arg9 : memref<128xi32, #tpu.memory_space<vmem>>)
      %dma_start3A_89 = arith.constant 0 : i32
      %dma_start3A_90 = arith.constant 0 : i32
      %dma_start3A_91 = tpu.memref_slice %arg4[%dma_start3A_89, %dma_start3A_90] : memref<10000x128xf32, #tpu.memory_space<hbm>> -> memref<10000x128xf32, #tpu.memory_space<hbm>>
      tpu.enqueue_indirect_dma source(%dma_start3A_91 : memref<10000x128xf32, #tpu.memory_space<hbm>>) target(%arg11 : memref<128x128xf32, #tpu.memory_space<vmem>>) offsets(%arg7 : memref<128xi32, #tpu.memory_space<vmem>>) semaphore(%arg17 : memref<!tpu.dma_semaphore, #tpu.memory_space<semaphore_mem>>)
      %dma_wait3A_92 = arith.constant 0 : i32
      %dma_wait3A_93 = arith.constant 0 : i32
      %dma_wait3A_94 = tpu.memref_slice %arg4[%dma_wait3A_92, %dma_wait3A_93] : memref<10000x128xf32, #tpu.memory_space<hbm>> -> memref<10000x128xf32, #tpu.memory_space<hbm>>
      tpu.wait_indirect_dma semaphore(%arg18 : memref<!tpu.dma_semaphore, #tpu.memory_space<semaphore_mem>>) src(%dma_wait3A_94 : memref<10000x128xf32, #tpu.memory_space<hbm>>) dst(%arg12 : memref<128x128xf32, #tpu.memory_space<vmem>>)
      "tpu.region"() ({
        %run_scoped3A = tpu.sem_alloc : memref<!tpu.dma_semaphore, #tpu.memory_space<semaphore_mem>>
        %dma_start3A_107 = arith.constant 0 : i32
        %dma_start3A_108 = arith.constant 0 : i32
        %dma_start3A_109 = tpu.memref_slice %arg19[%dma_start3A_107, %dma_start3A_108] : memref<10240x128xf32, #tpu.memory_space<vmem_shared>> -> memref<10240x128xf32, #tpu.memory_space<vmem_shared>>
        tpu.enqueue_indirect_dma source(%arg12 : memref<128x128xf32, #tpu.memory_space<vmem>>) target(%dma_start3A_109 : memref<10240x128xf32, #tpu.memory_space<vmem_shared>>) offsets(%arg10 : memref<128xi32, #tpu.memory_space<vmem>>) semaphore(%run_scoped3A : memref<!tpu.dma_semaphore, #tpu.memory_space<semaphore_mem>>) {add = true}
        %dma_wait3A_110 = arith.constant 0 : i32
        %dma_wait3A_111 = arith.constant 0 : i32
        %dma_wait3A_112 = tpu.memref_slice %arg19[%dma_wait3A_110, %dma_wait3A_111] : memref<10240x128xf32, #tpu.memory_space<vmem_shared>> -> memref<10240x128xf32, #tpu.memory_space<vmem_shared>>
        tpu.wait_indirect_dma semaphore(%run_scoped3A : memref<!tpu.dma_semaphore, #tpu.memory_space<semaphore_mem>>) src(%arg12 : memref<128x128xf32, #tpu.memory_space<vmem>>) dst(%dma_wait3A_112 : memref<10240x128xf32, #tpu.memory_space<vmem_shared>>)
        tpu.yield
      }) : () -> ()
      %add3A_95 = arith.constant 3 : i32
      %add3A_96 = arith.addi %add3A_54, %add3A_95 : i32
      %mul3A_97 = arith.constant 128 : i32
      %mul3A_98 = arith.muli %add3A_96, %mul3A_97 : i32
      %add3A_99 = arith.addi %mul3A_2, %mul3A_98 : i32
      %dma_start3A_100 = tpu.memref_slice %arg2[%add3A_99] : memref<327936xi32, #tpu.memory_space<hbm>> -> memref<128xi32, #tpu.memory_space<hbm>>
      %dma_start3A_101 = tpu.memref_slice %arg2[%add3A_99] : memref<327936xi32, #tpu.memory_space<hbm>> -> memref<128xi32, #tpu.memory_space<hbm>>
      tpu.enqueue_dma source(%dma_start3A_101 : memref<128xi32, #tpu.memory_space<hbm>>) target(%arg8 : memref<128xi32, #tpu.memory_space<vmem>>) target_semaphore(%arg14 : memref<!tpu.dma_semaphore, #tpu.memory_space<semaphore_mem>>)
      %mul3A_102 = arith.constant 128 : i32
      %mul3A_103 = arith.muli %add3A_96, %mul3A_102 : i32
      %add3A_104 = arith.addi %mul3A_2, %mul3A_103 : i32
      %dma_start3A_105 = tpu.memref_slice %arg3[%add3A_104] : memref<327936xi32, #tpu.memory_space<hbm>> -> memref<128xi32, #tpu.memory_space<hbm>>
      %dma_start3A_106 = tpu.memref_slice %arg3[%add3A_104] : memref<327936xi32, #tpu.memory_space<hbm>> -> memref<128xi32, #tpu.memory_space<hbm>>
      tpu.enqueue_dma source(%dma_start3A_106 : memref<128xi32, #tpu.memory_space<hbm>>) target(%arg10 : memref<128xi32, #tpu.memory_space<vmem>>) target_semaphore(%arg16 : memref<!tpu.dma_semaphore, #tpu.memory_space<semaphore_mem>>)
    }
    %scan3A_33 = arith.constant 40 : i32
    %dma_wait3A_34 = arith.constant 0 : i32
    %dma_wait3A_35 = arith.constant 0 : i32
    %dma_wait3A_36 = tpu.memref_slice %arg4[%dma_wait3A_34, %dma_wait3A_35] : memref<10000x128xf32, #tpu.memory_space<hbm>> -> memref<10000x128xf32, #tpu.memory_space<hbm>>
    tpu.wait_indirect_dma semaphore(%arg17 : memref<!tpu.dma_semaphore, #tpu.memory_space<semaphore_mem>>) src(%dma_wait3A_36 : memref<10000x128xf32, #tpu.memory_space<hbm>>) dst(%arg11 : memref<128x128xf32, #tpu.memory_space<vmem>>)
    %dma_wait3A_37 = arith.constant 0 : i32
    %dma_wait3A_38 = tpu.memref_slice %arg2[%dma_wait3A_37] : memref<327936xi32, #tpu.memory_space<hbm>> -> memref<128xi32, #tpu.memory_space<hbm>>
    %dma_wait3A_39 = arith.constant 0 : i32
    %dma_wait3A_40 = tpu.memref_slice %arg2[%dma_wait3A_39] : memref<327936xi32, #tpu.memory_space<hbm>> -> memref<128xi32, #tpu.memory_space<hbm>>
    tpu.wait_dma2 semaphore(%arg14 : memref<!tpu.dma_semaphore, #tpu.memory_space<semaphore_mem>>) src(%dma_wait3A_40 : memref<128xi32, #tpu.memory_space<hbm>>) dst(%arg8 : memref<128xi32, #tpu.memory_space<vmem>>)
    %dma_wait3A_41 = arith.constant 0 : i32
    %dma_wait3A_42 = tpu.memref_slice %arg3[%dma_wait3A_41] : memref<327936xi32, #tpu.memory_space<hbm>> -> memref<128xi32, #tpu.memory_space<hbm>>
    %dma_wait3A_43 = arith.constant 0 : i32
    %dma_wait3A_44 = tpu.memref_slice %arg3[%dma_wait3A_43] : memref<327936xi32, #tpu.memory_space<hbm>> -> memref<128xi32, #tpu.memory_space<hbm>>
    tpu.wait_dma2 semaphore(%arg16 : memref<!tpu.dma_semaphore, #tpu.memory_space<semaphore_mem>>) src(%dma_wait3A_44 : memref<128xi32, #tpu.memory_space<hbm>>) dst(%arg10 : memref<128xi32, #tpu.memory_space<vmem>>)
    %barrier3A_45 = arith.constant 0 : index
    tpu.barrier barrier_id(%barrier3A_45)
    %mul3A_46 = arith.constant 640 : i32
    %mul3A_47 = arith.muli %arg1, %mul3A_46 : i32
    %mul3A_48 = arith.constant 640 : i32
    %mul3A_49 = arith.muli %arg1, %mul3A_48 : i32
    "tpu.region"() ({
      %run_scoped3A = tpu.sem_alloc : memref<!tpu.dma_semaphore, #tpu.memory_space<semaphore_mem>>
      %dma_start3A_50 = arith.constant 0 : i32
      %dma_start3A_51 = tpu.memref_slice %arg6[%arg0, %mul3A_49, %dma_start3A_50] : memref<2x10240x128xf32, #tpu.memory_space<hbm>> -> memref<1x640x128xf32, #tpu.memory_space<hbm>>
      %dma_start3A_52 = tpu.memref_squeeze %dma_start3A_51 : memref<1x640x128xf32, #tpu.memory_space<hbm>> -> memref<640x128xf32, #tpu.memory_space<hbm>>
      %dma_start3A_53 = arith.constant 0 : i32
      %dma_start3A_54 = tpu.memref_slice %arg19[%mul3A_47, %dma_start3A_53] : memref<10240x128xf32, #tpu.memory_space<vmem_shared>> -> memref<640x128xf32, #tpu.memory_space<vmem_shared>>
      tpu.enqueue_dma source(%dma_start3A_54 : memref<640x128xf32, #tpu.memory_space<vmem_shared>>) target(%dma_start3A_52 : memref<640x128xf32, #tpu.memory_space<hbm>>) target_semaphore(%run_scoped3A : memref<!tpu.dma_semaphore, #tpu.memory_space<semaphore_mem>>)
      %dma_wait3A_55 = arith.constant 0 : i32
      %dma_wait3A_56 = tpu.memref_slice %arg6[%arg0, %mul3A_49, %dma_wait3A_55] : memref<2x10240x128xf32, #tpu.memory_space<hbm>> -> memref<1x640x128xf32, #tpu.memory_space<hbm>>
      %dma_wait3A_57 = tpu.memref_squeeze %dma_wait3A_56 : memref<1x640x128xf32, #tpu.memory_space<hbm>> -> memref<640x128xf32, #tpu.memory_space<hbm>>
      %dma_wait3A_58 = arith.constant 0 : i32
      %dma_wait3A_59 = tpu.memref_slice %arg19[%mul3A_47, %dma_wait3A_58] : memref<10240x128xf32, #tpu.memory_space<vmem_shared>> -> memref<640x128xf32, #tpu.memory_space<vmem_shared>>
      tpu.wait_dma2 semaphore(%run_scoped3A : memref<!tpu.dma_semaphore, #tpu.memory_space<semaphore_mem>>) src(%dma_wait3A_59 : memref<640x128xf32, #tpu.memory_space<vmem_shared>>) dst(%dma_wait3A_57 : memref<640x128xf32, #tpu.memory_space<hbm>>)
      tpu.yield
    }) : () -> ()
    return
  }
}

module attributes {stable_mosaic.version = 14 : i64} {
  func.func @_tc_prep_body(%arg0: memref<32x10240xf32, #tpu.memory_space<vmem>>, %arg1: memref<10000x128xf32, #tpu.memory_space<vmem>>, %arg2: memref<128x128xf32, #tpu.memory_space<vmem>>, %arg3: memref<10000x128xf32, #tpu.memory_space<vmem>>, %arg4: memref<10000x1xf32, #tpu.memory_space<vmem>>) attributes {dimension_semantics = [], scalar_prefetch = 0 : i64, scratch_operands = 0 : i64, tpu.core_type = #tpu.core_type<tc>} {
    %get3A = arith.constant 0 : index
    %get3A_0 = arith.constant 0 : index
    %get3A_1 = vector.load %arg0[%get3A, %get3A_0] : memref<32x10240xf32, #tpu.memory_space<vmem>>, vector<32x10240xf32>
    %reduce_sum3A = arith.constant dense<0.000000e+00> : vector<10240xf32>
    %reduce_sum3A_2 = vector.multi_reduction <add>, %get3A_1, %reduce_sum3A [0] : vector<32x10240xf32> to vector<10240xf32>
    %slice3A = vector.extract_strided_slice %reduce_sum3A_2 {offsets = [0], sizes = [10000], strides = [1]} : vector<10240xf32> to vector<10000xf32>
    %add3A = arith.constant 1.000000e+00 : f32
    %add3A_3 = vector.broadcast %add3A : f32 to vector<10000xf32>
    %add3A_4 = arith.addf %slice3A, %add3A_3 : vector<10000xf32>
    %rsqrt3A = math.rsqrt %add3A_4 : vector<10000xf32>
    %broadcast_in_dim3A = vector.shape_cast %rsqrt3A : vector<10000xf32> to vector<10000x1xf32>
    %get3A_5 = arith.constant 0 : index
    %get3A_6 = arith.constant 0 : index
    %get3A_7 = vector.load %arg1[%get3A_5, %get3A_6] : memref<10000x128xf32, #tpu.memory_space<vmem>>, vector<10000x128xf32>
    %get3A_8 = arith.constant 0 : index
    %get3A_9 = arith.constant 0 : index
    %get3A_10 = vector.load %arg2[%get3A_8, %get3A_9] : memref<128x128xf32, #tpu.memory_space<vmem>>, vector<128x128xf32>
    %dot_general3A = arith.constant dense<0.000000e+00> : vector<10000x128xf32>
    %dot_general3A_11 = tpu.matmul %get3A_7, %get3A_10, %dot_general3A {dimension_numbers = #tpu.dot_dimension_numbers<[1], [0], [0], [1], [0, 0, 1, 1], [], []>, transpose_lhs_hint = false} : vector<10000x128xf32>, vector<128x128xf32>, vector<10000x128xf32> -> vector<10000x128xf32>
    %mul3A = vector.broadcast %broadcast_in_dim3A : vector<10000x1xf32> to vector<10000x128xf32>
    %mul3A_12 = arith.mulf %dot_general3A_11, %mul3A : vector<10000x128xf32>
    %swap3A = arith.constant 0 : index
    %swap3A_13 = arith.constant 0 : index
    %swap3A_14 = vector.load %arg3[%swap3A, %swap3A_13] : memref<10000x128xf32, #tpu.memory_space<vmem>>, vector<10000x128xf32>
    tpu.vector_store %arg3[%swap3A, %swap3A_13], %mul3A_12 {strides = array<i32>} : memref<10000x128xf32, #tpu.memory_space<vmem>>, vector<10000x128xf32>,
    %swap3A_15 = arith.constant 0 : index
    %swap3A_16 = arith.constant 0 : index
    %swap3A_17 = vector.load %arg4[%swap3A_15, %swap3A_16] : memref<10000x1xf32, #tpu.memory_space<vmem>>, vector<10000x1xf32>
    tpu.vector_store %arg4[%swap3A_15, %swap3A_16], %broadcast_in_dim3A {strides = array<i32>} : memref<10000x1xf32, #tpu.memory_space<vmem>>, vector<10000x1xf32>,
    return
  }
}

module attributes {stable_mosaic.version = 14 : i64} {
  func.func @_tc_finish_body(%arg0: memref<2x10240x128xf32, #tpu.memory_space<vmem>>, %arg1: memref<10000x128xf32, #tpu.memory_space<vmem>>, %arg2: memref<10000x1xf32, #tpu.memory_space<vmem>>, %arg3: memref<1x128xf32, #tpu.memory_space<vmem>>, %arg4: memref<1x128xf32, #tpu.memory_space<vmem>>, %arg5: memref<1x128xf32, #tpu.memory_space<vmem>>, %arg6: memref<10000x128xf32, #tpu.memory_space<vmem>>) attributes {dimension_semantics = [], scalar_prefetch = 0 : i64, scratch_operands = 0 : i64, tpu.core_type = #tpu.core_type<tc>} {
    %get3A = arith.constant 0 : index
    %get3A_0 = arith.constant 0 : index
    %get3A_1 = arith.constant 0 : index
    %get3A_2 = vector.load %arg0[%get3A, %get3A_0, %get3A_1] : memref<2x10240x128xf32, #tpu.memory_space<vmem>>, vector<1x10000x128xf32>
    %get3A_3 = vector.shape_cast %get3A_2 : vector<1x10000x128xf32> to vector<10000x128xf32>
    %get3A_4 = arith.constant 1 : index
    %get3A_5 = arith.constant 0 : index
    %get3A_6 = arith.constant 0 : index
    %get3A_7 = vector.load %arg0[%get3A_4, %get3A_5, %get3A_6] : memref<2x10240x128xf32, #tpu.memory_space<vmem>>, vector<1x10000x128xf32>
    %get3A_8 = vector.shape_cast %get3A_7 : vector<1x10000x128xf32> to vector<10000x128xf32>
    %add3A = arith.addf %get3A_3, %get3A_8 : vector<10000x128xf32>
    %get3A_9 = arith.constant 0 : index
    %get3A_10 = arith.constant 0 : index
    %get3A_11 = vector.load %arg1[%get3A_9, %get3A_10] : memref<10000x128xf32, #tpu.memory_space<vmem>>, vector<10000x128xf32>
    %add3A_12 = arith.addf %add3A, %get3A_11 : vector<10000x128xf32>
    %get3A_13 = arith.constant 0 : index
    %get3A_14 = arith.constant 0 : index
    %get3A_15 = vector.load %arg2[%get3A_13, %get3A_14] : memref<10000x1xf32, #tpu.memory_space<vmem>>, vector<10000x1xf32>
    %mul3A = vector.broadcast %get3A_15 : vector<10000x1xf32> to vector<10000x128xf32>
    %mul3A_16 = arith.mulf %add3A_12, %mul3A : vector<10000x128xf32>
    %get3A_17 = arith.constant 0 : index
    %get3A_18 = arith.constant 0 : index
    %get3A_19 = vector.load %arg3[%get3A_17, %get3A_18] : memref<1x128xf32, #tpu.memory_space<vmem>>, vector<1x128xf32>
    %add3A_20 = vector.broadcast %get3A_19 : vector<1x128xf32> to vector<10000x128xf32>
    %add3A_21 = arith.addf %mul3A_16, %add3A_20 : vector<10000x128xf32>
    %max3A = arith.constant 0.000000e+00 : f32
    %max3A_22 = vector.broadcast %max3A : f32 to vector<10000x128xf32>
    %max3A_23 = arith.maximumf %add3A_21, %max3A_22 : vector<10000x128xf32>
    %reduce_sum3A = arith.constant dense<0.000000e+00> : vector<128xf32>
    %reduce_sum3A_24 = vector.multi_reduction <add>, %max3A_23, %reduce_sum3A [0] : vector<10000x128xf32> to vector<128xf32>
    %broadcast_in_dim3A = vector.shape_cast %reduce_sum3A_24 : vector<128xf32> to vector<1x128xf32>
    %div3A = arith.constant 1.000000e+04 : f32
    %div3A_25 = vector.broadcast %div3A : f32 to vector<1x128xf32>
    %div3A_26 = arith.divf %broadcast_in_dim3A, %div3A_25 : vector<1x128xf32>
    %sub3A = vector.broadcast %div3A_26 : vector<1x128xf32> to vector<10000x128xf32>
    %sub3A_27 = arith.subf %max3A_23, %sub3A : vector<10000x128xf32>
    %integer_pow3A = arith.mulf %sub3A_27, %sub3A_27 : vector<10000x128xf32>
    %reduce_sum3A_28 = arith.constant dense<0.000000e+00> : vector<128xf32>
    %reduce_sum3A_29 = vector.multi_reduction <add>, %integer_pow3A, %reduce_sum3A_28 [0] : vector<10000x128xf32> to vector<128xf32>
    %broadcast_in_dim3A_30 = vector.shape_cast %reduce_sum3A_29 : vector<128xf32> to vector<1x128xf32>
    %div3A_31 = arith.constant 1.000000e+04 : f32
    %div3A_32 = vector.broadcast %div3A_31 : f32 to vector<1x128xf32>
    %div3A_33 = arith.divf %broadcast_in_dim3A_30, %div3A_32 : vector<1x128xf32>
    %sub3A_34 = vector.broadcast %div3A_26 : vector<1x128xf32> to vector<10000x128xf32>
    %sub3A_35 = arith.subf %max3A_23, %sub3A_34 : vector<10000x128xf32>
    %add3A_36 = arith.constant 9.99999974E-6 : f32
    %add3A_37 = vector.broadcast %add3A_36 : f32 to vector<1x128xf32>
    %add3A_38 = arith.addf %div3A_33, %add3A_37 : vector<1x128xf32>
    %sqrt3A = math.sqrt %add3A_38 : vector<1x128xf32>
    %div3A_39 = vector.broadcast %sqrt3A : vector<1x128xf32> to vector<10000x128xf32>
    %div3A_40 = arith.divf %sub3A_35, %div3A_39 : vector<10000x128xf32>
    %get3A_41 = arith.constant 0 : index
    %get3A_42 = arith.constant 0 : index
    %get3A_43 = vector.load %arg4[%get3A_41, %get3A_42] : memref<1x128xf32, #tpu.memory_space<vmem>>, vector<1x128xf32>
    %mul3A_44 = vector.broadcast %get3A_43 : vector<1x128xf32> to vector<10000x128xf32>
    %mul3A_45 = arith.mulf %div3A_40, %mul3A_44 : vector<10000x128xf32>
    %get3A_46 = arith.constant 0 : index
    %get3A_47 = arith.constant 0 : index
    %get3A_48 = vector.load %arg5[%get3A_46, %get3A_47] : memref<1x128xf32, #tpu.memory_space<vmem>>, vector<1x128xf32>
    %add3A_49 = vector.broadcast %get3A_48 : vector<1x128xf32> to vector<10000x128xf32>
    %add3A_50 = arith.addf %mul3A_45, %add3A_49 : vector<10000x128xf32>
    %swap3A = arith.constant 0 : index
    %swap3A_51 = arith.constant 0 : index
    %swap3A_52 = vector.load %arg6[%swap3A, %swap3A_51] : memref<10000x128xf32, #tpu.memory_space<vmem>>, vector<10000x128xf32>
    tpu.vector_store %arg6[%swap3A, %swap3A_51], %add3A_50 {strides = array<i32>} : memref<10000x128xf32, #tpu.memory_space<vmem>>, vector<10000x128xf32>,
    return
  }
}

</mosaic_0001>

<sc_bundles>
// kernel: kernel.6.cloned.1.call-start
scs
__scs_entry_jumppad:
0x0: {  	(pc) =	sbr.rel $0x88, $3  }
0x1: {  	(tag) =	ssettag $0x0;
	lr =	simm.s32 $0x1  }
0x2: {  	[smem:$0x3F9B] =	sst lr;
	_ =	strace $0xD0000000  }
0x3: {  	_ = 	snop  }
0x4: {  	_ = 	snop  }
0x5: {  	_ = 	snop  }
0x6: {  	_ = 	snop  }
0x7: {  	_ = 	snop  }
__scs_overlays_trampoline_lowered:
0x8: {  	[smem:$0x3FAA] =	sst s0  }
0x9: {  	[smem:$0x3FAB] =	sst s1  }
0xa: {  	[smem:$0x3FAC] =	sst s2  }
0xb: {  	[smem:$0x3FAD] =	sst s3  }
0xc: {  	[smem:$0x3FAE] =	sst s4  }
0xd: {  	[smem:$0x3FAF] =	sst s5  }
0xe: {  	[smem:$0x3FB0] =	sst s6  }
0xf: {  	[smem:$0x3FB1] =	sst s7  }
0x10: {  	[smem:$0x3FB2] =	sst s8  }
0x11: {  	[smem:$0x3FB3] =	sst s9;
	s0 =	simm.s32 @!p0 $0x0  }
0x12: {  	s1 =	sld [smem:$0x3F99];
	s0 =	simm.s32 @p0 $0x1  }
0x13: {  	[smem:$0x3FB4] =	sst s0;
	s0 =	simm.s32 @!p1 $0x0  }
0x14: {  	s2 =	sld [smem:$0x3F98];
	s0 =	simm.s32 @p1 $0x1  }
0x15: {  	[smem:$0x3FB5] =	sst s0;
	s0 =	simm.s32 @!p2 $0x0  }
0x16: {  	s3 =	sld [smem:$0x3FDB];
	s0 =	simm.s32 @p2 $0x1  }
0x17: {  	s4 =	simm.s32 $0x1BF5;
	[smem:$0x3FB7] =	sst s0  }
0x18: {  	s0 =	sld [smem:$0x3F9A];
	_ =	swait.ge [sflag:s4], $0x0  }
0x19: {  	s7 =	sld [smem:$0x3F9B]  }
0x1a: {  	s8 =	sadd.s32 $0xFFFFE003, lr  }
0x1b: {  	s9 =	sadd.s32 $0xFFFFFEF7, lr;
	s5 =	simm.s32 $0xFFFFFFFF;
	p2 =	slt.u32 s8, $0xFFFFF086  }
0x1c: {  	p1 =	slt.u32 s9, $0xF7A;
	s5 =	simm.s32 @!p2 $0x0  }
0x1d: {  	s5 =	simm.s32 @p1 $0x1;
	p0 =	seq.s32 s7, s2  }
0x1e: {  	s7 =	smul.u32 @!p0 $0xF7A, s2;
	p2 =	seq.s32 @!p0 s5, $0x0  }
0x1f: {  	s9 =	smul.u32 $0xF7A, s1;
	s8 =	simm.s32 @!p0 $0x1BF5;
	p2 =	por !p2, p0  }
0x20: {  	[sflag:s8] =	ssyncset.s32 @!p0 $0xFFFFF086;
	s6 =	sadd.s32 @!p0 s3, s7;
	s7 =	simm.s32 @!p0 $0x108  }
0x21: {  	s3 =	sadd.s32 s3, s9;
	s6 =	sadd.s32 @!p0 $0x88, s6;
	s7 =	simm.s32 @p2 $0x1082  }
0x22: {  	[simem:s7], [sflag:s8] =	dma.local @!p0 [hbm:s6], $0xF7A  }
0x23: {  	s9 =	sor.u32 $0xD0000000, s2;
	s6 =	simm.s32 $0x108;
	_ =	swait.ge @!p0 [sflag:s8], $0x0  }
0x24: {  	s3 =	sadd.s32 $0x88, s3;
	s6 =	simm.s32 @!p1 $0x1082;
	[sflag:s4] =	ssyncset.s32 $0xFFFFF086  }
0x25: {  	[simem:s6], [sflag:s4] =	dma.local [hbm:s3], $0xF7A  }
0x26: {  	[smem:$0x3F9B] =	sst s1;
	(tag) =	ssettag s2;
	_ =	strace s9  }
0x27: {  	s1 =	sld [smem:$0x3FAB]  }
0x28: {  	s2 =	sld [smem:$0x3FAC]  }
0x29: {  	s4 =	sld [smem:$0x3FAE]  }
0x2a: {  	p0 =	seq.s32 s5, $0x0;
	s5 =	sld [smem:$0x3FAF]  }
0x2b: {  	s6 =	sld [smem:$0x3FB0]  }
0x2c: {  	s7 =	sld [smem:$0x3FB1]  }
0x2d: {  	s3 =	simm.s32 $0x108;
	s8 =	sld [smem:$0x3FB2]  }
0x2e: {  	s3 =	simm.s32 @!p0 $0x1082;
	s9 =	sld [smem:$0x3FB3]  }
0x2f: {  	lr =	sadd.s32 s0, s3;
	s0 =	sld [smem:$0x3FAA]  }
0x30: {  	s3 =	sld [smem:$0x3FAD]  }
0x31: {  	[smem:$0x3FB6] =	sst s10  }
0x32: {  	s10 =	sld [smem:$0x3FB4];
	_ =	sdelay $0x3  }
0x33: {  	p0 =	seq.s32 s10, $0x1;
	s10 =	sld [smem:$0x3FB6];
	_ =	sdelay $0x3  }
0x34: {  	[smem:$0x3FB6] =	sst s10  }
0x35: {  	s10 =	sld [smem:$0x3FB5];
	_ =	sdelay $0x3  }
0x36: {  	p1 =	seq.s32 s10, $0x1;
	s10 =	sld [smem:$0x3FB6];
	_ =	sdelay $0x3  }
0x37: {  	[smem:$0x3FB6] =	sst s10  }
0x38: {  	s10 =	sld [smem:$0x3FB7]  }
0x39: {  	_ = 	snop;
	(pc) =	sbr.ind lr, $3  }
0x3a: {  	_ = 	snop  }
0x3b: {  	_ = 	snop  }
0x3c: {  	p2 =	seq.s32 s10, $0x1;
	s10 =	sld [smem:$0x3FB6]  }
0x3d: {  	_ =	shalt  }
0x3e: {  	_ =	shalt  }
0x3f: {  	_ =	shalt  }
0x40: {  	_ =	shalt  }
0x41: {  	_ =	shalt  }
0x42: {  	_ =	shalt  }
0x43: {  	_ =	shalt  }
0x44: {  	_ =	shalt  }
0x45: {  	_ =	shalt  }
0x46: {  	_ =	shalt  }
0x47: {  	_ =	shalt  }
0x48: {  	_ =	shalt  }
0x49: {  	_ =	shalt  }
0x4a: {  	_ =	shalt  }
0x4b: {  	_ =	shalt  }
0x4c: {  	_ =	shalt  }
0x4d: {  	_ =	shalt  }
0x4e: {  	_ =	shalt  }
0x4f: {  	_ =	shalt  }
0x50: {  	_ =	shalt  }
0x51: {  	_ =	shalt  }
0x52: {  	_ =	shalt  }
0x53: {  	_ =	shalt  }
0x54: {  	_ =	shalt  }
0x55: {  	_ =	shalt  }
0x56: {  	_ =	shalt  }
0x57: {  	_ =	shalt  }
0x58: {  	_ =	shalt  }
0x59: {  	_ =	shalt  }
0x5a: {  	_ =	shalt  }
0x5b: {  	_ =	shalt  }
0x5c: {  	_ =	shalt  }
0x5d: {  	_ =	shalt  }
0x5e: {  	_ =	shalt  }
0x5f: {  	_ =	shalt  }
0x60: {  	_ =	shalt  }
0x61: {  	_ =	shalt  }
0x62: {  	_ =	shalt  }
0x63: {  	_ =	shalt  }
0x64: {  	_ =	shalt  }
0x65: {  	_ =	shalt  }
0x66: {  	_ =	shalt  }
0x67: {  	_ =	shalt  }
0x68: {  	_ =	shalt  }
0x69: {  	_ =	shalt  }
0x6a: {  	_ =	shalt  }
0x6b: {  	_ =	shalt  }
0x6c: {  	_ =	shalt  }
0x6d: {  	_ =	shalt  }
0x6e: {  	_ =	shalt  }
0x6f: {  	_ =	shalt  }
0x70: {  	_ =	shalt  }
0x71: {  	_ =	shalt  }
0x72: {  	_ =	shalt  }
0x73: {  	_ =	shalt  }
0x74: {  	_ =	shalt  }
0x75: {  	_ =	shalt  }
0x76: {  	_ =	shalt  }
0x77: {  	_ =	shalt  }
0x78: {  	_ =	shalt  }
0x79: {  	_ =	shalt  }
0x7a: {  	_ =	shalt  }
0x7b: {  	_ =	shalt  }
0x7c: {  	_ =	shalt  }
0x7d: {  	_ =	shalt  }
0x7e: {  	_ =	shalt  }
0x7f: {  	_ =	shalt  }
0x80: {  	_ =	shalt  }
0x81: {  	_ =	shalt  }
0x82: {  	_ =	shalt  }
0x83: {  	_ =	shalt  }
0x84: {  	_ =	shalt  }
0x85: {  	_ =	shalt  }
0x86: {  	_ =	shalt  }
0x87: {  	_ =	shalt  }
.Lfunc_end0:
.L_simem_size_0:
called_computation_lowered:
.L_overlay_start_0:
0x88: {  	s2 =	sld [smem:$0x3FD9]  }
0x89: {  	s3 =	sld [smem:$0x3FFE];
	_ =	sdelay $0x1  }
0x8a: {  	s1 =	srdreg.scid  }
0x8b: {  	s0 =	sand.u32 $0x1, s1  }
0x8c: {  	s17 =	sshll.u32 s0, $0xA;
	s2 =	sadd.s32 s3, s2  }
0x8d: {  	s2 =	sadd.s32 s2, s17  }
0x8e: {  	[smem:$0x3FC2] =	sst s2  }
0x8f: {  	_ = 	snop  }
0x90: {  	s2 =	sld [smem:$0x3FD0];
	(tm) =	ssettm $0x1  }
0x91: {  	s18 =	sld [smem:$0x3FFB];
	_ =	sdelay $0x3  }
0x92: {  	_ =	strace s18  }
0x93: {  	s3 =	sld [smem:$0x3FFC];
	_ =	sdelay $0x3  }
0x94: {  	_ =	strace s3  }
0x95: {  	s3 =	sld [smem:$0x3FFD];
	_ =	sdelay $0x3  }
0x96: {  	_ =	strace s3  }
0x97: {  	_ =	strace $0x8FFFFFFF  }
0x98: {  	s19 =	sld [smem:$0x3FDB];
	_ =	sdelay $0x1  }
0x99: {  	s4 =	simm.s32 $_scs_section_size  }
0x9a: {  	s5 =	simm.s32 $_size__tile_overlayer_lowered;
	s6 =	simm.s32 $_tile_overlayer_lowered  }
0x9b: {  	s22 =	simm.s32 $0x1BFF;
	s21 =	sshll.u32 s6, $0x1;
	s3 =	sadd.s32 s4, s19  }
0x9c: {  	s7 =	simm.s32 $0x0;
	s20 =	sshll.u32 s5, $0x1;
	s5 =	sadd.s32 s21, s3  }
0x9d: {  	[timem:s7], [sflag:s22] =	dma.local [hbm:s5], s20  }
0x9e: {  	_ =	swait.ge [sflag:s22], s20  }
0x9f: {  	s4 =	ssub.s32 $0x0, s20;
	[sflag:s22] =	ssyncset.done $0x0  }
0xa0: {  	[sflag:s22] =	ssyncadd.s32 s4;
	_ =	sdelay $0x1  }
0xa1: {  	s23 =	simm.s32 $0x1B8B  }
0xa2: {  	_ =	swait.ge [sflag:s23], $0x1  }
0xa3: {  	[sflag:s23] =	ssyncset.done $0x0  }
0xa4: {  	s25 =	simm.s32 $0x1B8E;
	s24 =	sld [smem:$0x3FFE];
	[sflag:s23] =	ssyncadd.s32 $0xFFFFFFFF  }
0xa5: {  	s26 =	simm.s32 $execute0_lowered;
	[smem:$0x3FD2] =	sst s25  }
0xa6: {  	s5 =	sshll.u32 s26, $0x1;
	_ =	strace $0x80000046;
	[dreg:$0x1] =	wrdreg $0xFFFFFFFF  }
0xa7: {  	s28 =	simm.s32 $_size_execute0_lowered;
	s3 =	sadd.s32 s3, s5;
	[dreg:$0x0] =	wrdreg $0x0  }
0xa8: {  	s5 =	sshll.u32 s28, $0x1;
	[dreg:$0x2] =	wrdreg s3  }
0xa9: {  	[dreg:$0x3] =	wrdreg s5  }
0xaa: {  	[dreg:$0x4] =	wrdreg $0xC0  }
0xab: {  	_ =	task [dreg:s7], $0x5FFFF  }
0xac: {  	[dreg:$0x1] =	wrdreg $0xFFFFFFFF  }
0xad: {  	[dreg:$0x0] =	wrdreg $0x60  }
0xae: {  	[dreg:$0x2] =	wrdreg s24  }
0xaf: {  	[dreg:$0x3] =	wrdreg s2  }
0xb0: {  	[dreg:$0x4] =	wrdreg $0x9  }
0xb1: {  	_ =	task.clear_ibuf [dreg:s7], $0x5FFFF;
	_ =	strace $0x90000046  }
0xb2: {  	s29 =	simm.s32 $0x9;
	_ =	strace $0x80000048  }
0xb3: {  	_ =	swait.ge [sflag:s29], $0x1  }
0xb4: {  	[sflag:s29] =	ssyncadd.s32 $0xFFFFFFFF  }
0xb5: {  	_ =	strace $0x90000048  }
0xb6: {  	_ =	sfence  }
0xb7: {  	s30 =	sld [smem:$0x0];
	_ =	sdelay $0x2  }
0xb8: {  	s31 =	sshll.u32 s1, $0xD;
	s1 =	sshrl.u32 s1, $0x2  }
0xb9: {  	s3 =	sand.u32 $0x4000, s31;
	s1 =	sadd.s32 s1, s30  }
0xba: {  	s0 =	sor.u32 s3, s0;
	s1 =	sshll.u32 s1, $0x11  }
0xbb: {  	s0 =	sor.u32 s1, s0  }
0xbc: {  	s0 =	sadd.s32 $0x8F2B, s0  }
0xbd: {  	[sflag:s0] =	ssyncadd.remote.s32 $0x1  }
0xbe: {  	_ =	sfence.sel $0xFFFF  }
0xbf: {  	[dreg:$0x0] =	wrdreg $0xFFFFFFFF;
	(pc) =	sbr.abs _section_cstart, $3  }
0xc0: {  	[dreg:$0x1] =	wrdreg $0xFFFFFFFF  }
0xc1: {  	_ =	task.clear_ibuf [dreg:s7], $0x2FFFF;
	_ =	strace $0x9FFFFFFF  }
0xc2: {  	(tm) =	ssettm $0x7FFFFFFF  }
0xc3: {  	_ =	shalt  }
tec
execute0_lowered:
.L_overlay_start_1:
0x0: {  	(tag) =	ssettag $0x1  }
0x1: {  	s3 =	rddreg [dreg:$0x0]  }
0x2: {  	s1 =	srdreg.scid;
	s0 =	stileid.u32  }
0x3: {  	s4 =	rddreg [dreg:$0x1];
	s9 =	simm.s32 $0x400;
	s10 =	simm.s32 $0x0  }
0x4: {  	s5 =	sand.u32 $0x1, s1;
	s2 =	sshll.u32 s0, $0x1;
	s1 =	rddreg [dreg:$0x2]  }
0x5: {  	s7 =	sshrl.u32 s0, $0x2;
	s6 =	sor.u32 s5, s2;
	s2 =	simm.s32 $0x0  }
0x6: {  	s7 =	smul.u32 $0x14000, s7;
	s5 =	ssub.s32 $0x2, s5;
	s8 =	sshll.u32 s6, $0x7  }
0x7: {  	[smem:$0x7FF] =	sst s2;
	s6 =	smul.u32 $0x500, s6;
	s31 =	sshrl.u32 s5, $0x1  }
0x8: {  	s8 =	sand.u32 $0x380, s8;
	_ =	strace $0x80000047;
	s5 =	ssub.s32 s5, s31  }
0x9: {  	s7 =	sor.u32 s7, s8;
	s3 =	sadd.s32 s6, s3;
	s5 =	smax.u32 s5, $0x1  }
0xa: {  	s6 =	simm.s32 $0x1;
	s8 =	simm.s32 $0x80;
	s7 =	sshrl.u32 s7, $0x3  }
0xb: {  	v0 =	vimm.f32 $0.0e+00;
	v1 =	vimm.f32 $1.000000000e+00;
	s3 =	sadd.s32 $0x2000, s3;
	s4 =	sadd.s32 s4, s7;
	s7 =	simm.s32 $0x2800  }
.LBB2_1:
0xc: {  	[tilespmem:s2], [sflag:$0x1] =	stream.linear.gather [hbm4b:s3+s2], $0x2800, $0x38;
	[tilespmem:$0x5000] =	vst v63  }
0xd: {  	_ =	swait.ge [sflag:s6], $0x2800  }
0xe: {  	[sflag:s6] =	ssyncset.done $0x0  }
0xf: {  	s11 =	simm.s32 $0x0;
	[sflag:s6] =	ssyncadd.s32 $0xFFFFD800  }
.LBB2_2:
0x10: {  	p0 =	sne.s32 s11, $0x9FC0  }
.Ltmp0:
0x11: {  	_ = 	snop;
	(pc) =	sbr.rel @p0 .LBB2_2-.Ltmp0, $3  }
0x12: {  	_ =	sdelay $0x1  }
0x13: {  	s12 =	sshra.s32 s11, $0x2  }
0x14: {  	s11 =	sadd.s32 $0x40, s11;
	[tilespmem:s12+$0x2800] =	vst v0  }
0x15: {  	s12 =	simm.s32 $0x0;
	s11 =	simm.s32 $0x40  }
.LBB2_4:
0x16: {  	p0 =	sne.s32 s11, $0x9FC0;
	v2 =	vld [tilespmem:s12+$0x0];
	_ =	sdelay $0x3  }
.Ltmp1:
0x17: {  	(pc) =	sbr.rel @p0 .LBB2_4-.Ltmp1, $2  }
0x18: {  	_ =	sdelay $0x2  }
0x19: {  	s12 =	sshra.s32 s11, $0x2;
	s11 =	sadd.s32 $0x40, s11;
	[tilespmem:v2+s7+$0x0] =	vst.idx.add.f32.msk $0xffff, v1  }
0x1a: {  	v2 =	vld [tilespmem:s12+$0x0];
	_ =	sdelay $0x5  }
0x1b: {  	s10 =	sadd.s32 $0x1, s10  }
0x1c: {  	p0 =	sne.s32 s10, s5  }
.Ltmp2:
0x1d: {  	[tilespmem:v2+s7+$0x0] =	vst.idx.add.f32.msk $0xffff, v1;
	(pc) =	sbr.rel @p0 .LBB2_1-.Ltmp2, $4  }
0x1e: {  	[hbm4b:s4+s8] =	stream.strided.scatter [tilespmem:s7], [sflag:$0x1], $0x2800, s9, s8, $0x38;
	[tilespmem:$0x5000] =	vst v63  }
0x1f: {  	_ =	swait.ge [sflag:s6], $0x2800  }
0x20: {  	[sflag:s6] =	ssyncset.done $0x0  }
0x21: {  	[sflag:s6] =	ssyncadd.s32 $0xFFFFD800  }
0x22: {  	_ =	sfence.sel $0x180000  }
0x23: {  	[bflag:$0x0] =	sbarrier.arrive $0xFFFF  }
0x24: {  	p0 =	sne.s32 s0, $0x0;
	_ =	strace $0x90000047  }
0x25: {  	s0 =	sadd.s32 @!p0 $0x100000, s1;
	[bflag:$0x2] =	sbarrier.arrive $0xFFFF  }
0x26: {  	[sflag:s0] =	ssyncadd.tile.s32 @!p0 $0x1;
	_ =	shalt  }
.Lfunc_end2:
_tile_overlayer_lowered:
.L_overlay_start_2:
0x27: {  	(tag) =	ssettag $0x2  }
0x28: {  	s0 =	rddreg [dreg:$0x0];
	s2 =	stileid.u32  }
0x29: {  	s1 =	rddreg [dreg:$0x1];
	p0 =	sne.s32 s2, $0x0  }
0x2a: {  	s3 =	rddreg [dreg:$0x2];
	[bflag:$0x3] =	sbarrier.arrive $0xFFFF;
	s2 =	simm.s32 @!p0 $0x1C01  }
0x2b: {  	[timem:s3], [sflag:s2] =	dma.local @!p0 [hbm:s0], s1  }
0x2c: {  	s0 =	simm.s32 @!p0 $0x1  }
0x2d: {  	_ =	swait.ge @!p0 [sflag:s0], s1  }
0x2e: {  	s1 =	ssub.s32 @!p0 $0x0, s1;
	[sflag:s0] =	ssyncset.done @!p0 $0x0  }
0x2f: {  	[sflag:s0] =	ssyncadd.s32 @!p0 s1  }
0x30: {  	[bflag:$0x3] =	sbarrier.arrive $0xFFFF  }
0x31: {  	_ =	shalt  }

// kernel: kernel.9.cloned.1.call-start
scs
__scs_entry_jumppad:
0x0: {  	(pc) =	sbr.rel $0x88, $3  }
0x1: {  	(tag) =	ssettag $0x0;
	lr =	simm.s32 $0x1  }
0x2: {  	[smem:$0x3F9B] =	sst lr;
	_ =	strace $0xD0000000  }
0x3: {  	_ = 	snop  }
0x4: {  	_ = 	snop  }
0x5: {  	_ = 	snop  }
0x6: {  	_ = 	snop  }
0x7: {  	_ = 	snop  }
__scs_overlays_trampoline_lowered:
0x8: {  	[smem:$0x3FAA] =	sst s0  }
0x9: {  	[smem:$0x3FAB] =	sst s1  }
0xa: {  	[smem:$0x3FAC] =	sst s2  }
0xb: {  	[smem:$0x3FAD] =	sst s3  }
0xc: {  	[smem:$0x3FAE] =	sst s4  }
0xd: {  	[smem:$0x3FAF] =	sst s5  }
0xe: {  	[smem:$0x3FB0] =	sst s6  }
0xf: {  	[smem:$0x3FB1] =	sst s7  }
0x10: {  	[smem:$0x3FB2] =	sst s8  }
0x11: {  	[smem:$0x3FB3] =	sst s9;
	s0 =	simm.s32 @!p0 $0x0  }
0x12: {  	s1 =	sld [smem:$0x3F99];
	s0 =	simm.s32 @p0 $0x1  }
0x13: {  	[smem:$0x3FB4] =	sst s0;
	s0 =	simm.s32 @!p1 $0x0  }
0x14: {  	s2 =	sld [smem:$0x3F98];
	s0 =	simm.s32 @p1 $0x1  }
0x15: {  	[smem:$0x3FB5] =	sst s0;
	s0 =	simm.s32 @!p2 $0x0  }
0x16: {  	s3 =	sld [smem:$0x3FDB];
	s0 =	simm.s32 @p2 $0x1  }
0x17: {  	s4 =	simm.s32 $0x1BF5;
	[smem:$0x3FB7] =	sst s0  }
0x18: {  	s0 =	sld [smem:$0x3F9A];
	_ =	swait.ge [sflag:s4], $0x0  }
0x19: {  	s7 =	sld [smem:$0x3F9B]  }
0x1a: {  	s8 =	sadd.s32 $0xFFFFE003, lr  }
0x1b: {  	s9 =	sadd.s32 $0xFFFFFEF7, lr;
	s5 =	simm.s32 $0xFFFFFFFF;
	p2 =	slt.u32 s8, $0xFFFFF086  }
0x1c: {  	p1 =	slt.u32 s9, $0xF7A;
	s5 =	simm.s32 @!p2 $0x0  }
0x1d: {  	s5 =	simm.s32 @p1 $0x1;
	p0 =	seq.s32 s7, s2  }
0x1e: {  	s7 =	smul.u32 @!p0 $0xF7A, s2;
	p2 =	seq.s32 @!p0 s5, $0x0  }
0x1f: {  	s9 =	smul.u32 $0xF7A, s1;
	s8 =	simm.s32 @!p0 $0x1BF5;
	p2 =	por !p2, p0  }
0x20: {  	[sflag:s8] =	ssyncset.s32 @!p0 $0xFFFFF086;
	s6 =	sadd.s32 @!p0 s3, s7;
	s7 =	simm.s32 @!p0 $0x108  }
0x21: {  	s3 =	sadd.s32 s3, s9;
	s6 =	sadd.s32 @!p0 $0x88, s6;
	s7 =	simm.s32 @p2 $0x1082  }
0x22: {  	[simem:s7], [sflag:s8] =	dma.local @!p0 [hbm:s6], $0xF7A  }
0x23: {  	s9 =	sor.u32 $0xD0000000, s2;
	s6 =	simm.s32 $0x108;
	_ =	swait.ge @!p0 [sflag:s8], $0x0  }
0x24: {  	s3 =	sadd.s32 $0x88, s3;
	s6 =	simm.s32 @!p1 $0x1082;
	[sflag:s4] =	ssyncset.s32 $0xFFFFF086  }
0x25: {  	[simem:s6], [sflag:s4] =	dma.local [hbm:s3], $0xF7A  }
0x26: {  	[smem:$0x3F9B] =	sst s1;
	(tag) =	ssettag s2;
	_ =	strace s9  }
0x27: {  	s1 =	sld [smem:$0x3FAB]  }
0x28: {  	s2 =	sld [smem:$0x3FAC]  }
0x29: {  	s4 =	sld [smem:$0x3FAE]  }
0x2a: {  	p0 =	seq.s32 s5, $0x0;
	s5 =	sld [smem:$0x3FAF]  }
0x2b: {  	s6 =	sld [smem:$0x3FB0]  }
0x2c: {  	s7 =	sld [smem:$0x3FB1]  }
0x2d: {  	s3 =	simm.s32 $0x108;
	s8 =	sld [smem:$0x3FB2]  }
0x2e: {  	s3 =	simm.s32 @!p0 $0x1082;
	s9 =	sld [smem:$0x3FB3]  }
0x2f: {  	lr =	sadd.s32 s0, s3;
	s0 =	sld [smem:$0x3FAA]  }
0x30: {  	s3 =	sld [smem:$0x3FAD]  }
0x31: {  	[smem:$0x3FB6] =	sst s10  }
0x32: {  	s10 =	sld [smem:$0x3FB4];
	_ =	sdelay $0x3  }
0x33: {  	p0 =	seq.s32 s10, $0x1;
	s10 =	sld [smem:$0x3FB6];
	_ =	sdelay $0x3  }
0x34: {  	[smem:$0x3FB6] =	sst s10  }
0x35: {  	s10 =	sld [smem:$0x3FB5];
	_ =	sdelay $0x3  }
0x36: {  	p1 =	seq.s32 s10, $0x1;
	s10 =	sld [smem:$0x3FB6];
	_ =	sdelay $0x3  }
0x37: {  	[smem:$0x3FB6] =	sst s10  }
0x38: {  	s10 =	sld [smem:$0x3FB7]  }
0x39: {  	_ = 	snop;
	(pc) =	sbr.ind lr, $3  }
0x3a: {  	_ = 	snop  }
0x3b: {  	_ = 	snop  }
0x3c: {  	p2 =	seq.s32 s10, $0x1;
	s10 =	sld [smem:$0x3FB6]  }
0x3d: {  	_ =	shalt  }
0x3e: {  	_ =	shalt  }
0x3f: {  	_ =	shalt  }
0x40: {  	_ =	shalt  }
0x41: {  	_ =	shalt  }
0x42: {  	_ =	shalt  }
0x43: {  	_ =	shalt  }
0x44: {  	_ =	shalt  }
0x45: {  	_ =	shalt  }
0x46: {  	_ =	shalt  }
0x47: {  	_ =	shalt  }
0x48: {  	_ =	shalt  }
0x49: {  	_ =	shalt  }
0x4a: {  	_ =	shalt  }
0x4b: {  	_ =	shalt  }
0x4c: {  	_ =	shalt  }
0x4d: {  	_ =	shalt  }
0x4e: {  	_ =	shalt  }
0x4f: {  	_ =	shalt  }
0x50: {  	_ =	shalt  }
0x51: {  	_ =	shalt  }
0x52: {  	_ =	shalt  }
0x53: {  	_ =	shalt  }
0x54: {  	_ =	shalt  }
0x55: {  	_ =	shalt  }
0x56: {  	_ =	shalt  }
0x57: {  	_ =	shalt  }
0x58: {  	_ =	shalt  }
0x59: {  	_ =	shalt  }
0x5a: {  	_ =	shalt  }
0x5b: {  	_ =	shalt  }
0x5c: {  	_ =	shalt  }
0x5d: {  	_ =	shalt  }
0x5e: {  	_ =	shalt  }
0x5f: {  	_ =	shalt  }
0x60: {  	_ =	shalt  }
0x61: {  	_ =	shalt  }
0x62: {  	_ =	shalt  }
0x63: {  	_ =	shalt  }
0x64: {  	_ =	shalt  }
0x65: {  	_ =	shalt  }
0x66: {  	_ =	shalt  }
0x67: {  	_ =	shalt  }
0x68: {  	_ =	shalt  }
0x69: {  	_ =	shalt  }
0x6a: {  	_ =	shalt  }
0x6b: {  	_ =	shalt  }
0x6c: {  	_ =	shalt  }
0x6d: {  	_ =	shalt  }
0x6e: {  	_ =	shalt  }
0x6f: {  	_ =	shalt  }
0x70: {  	_ =	shalt  }
0x71: {  	_ =	shalt  }
0x72: {  	_ =	shalt  }
0x73: {  	_ =	shalt  }
0x74: {  	_ =	shalt  }
0x75: {  	_ =	shalt  }
0x76: {  	_ =	shalt  }
0x77: {  	_ =	shalt  }
0x78: {  	_ =	shalt  }
0x79: {  	_ =	shalt  }
0x7a: {  	_ =	shalt  }
0x7b: {  	_ =	shalt  }
0x7c: {  	_ =	shalt  }
0x7d: {  	_ =	shalt  }
0x7e: {  	_ =	shalt  }
0x7f: {  	_ =	shalt  }
0x80: {  	_ =	shalt  }
0x81: {  	_ =	shalt  }
0x82: {  	_ =	shalt  }
0x83: {  	_ =	shalt  }
0x84: {  	_ =	shalt  }
0x85: {  	_ =	shalt  }
0x86: {  	_ =	shalt  }
0x87: {  	_ =	shalt  }
.Lfunc_end0:
.L_simem_size_0:
called_computation.1_lowered:
.L_overlay_start_0:
0x88: {  	s2 =	sld [smem:$0x3FD9]  }
0x89: {  	s3 =	sld [smem:$0x3FFE];
	_ =	sdelay $0x1  }
0x8a: {  	s1 =	srdreg.scid  }
0x8b: {  	s0 =	sand.u32 $0x1, s1  }
0x8c: {  	s17 =	sshll.u32 s0, $0xA;
	s2 =	sadd.s32 s3, s2  }
0x8d: {  	s2 =	sadd.s32 s2, s17  }
0x8e: {  	[smem:$0x3FC2] =	sst s2  }
0x8f: {  	_ = 	snop  }
0x90: {  	s2 =	sld [smem:$0x3FD0];
	(tm) =	ssettm $0x1  }
0x91: {  	s18 =	sld [smem:$0x3FFB];
	_ =	sdelay $0x3  }
0x92: {  	_ =	strace s18  }
0x93: {  	s3 =	sld [smem:$0x3FFC];
	_ =	sdelay $0x3  }
0x94: {  	_ =	strace s3  }
0x95: {  	s3 =	sld [smem:$0x3FFD];
	_ =	sdelay $0x3  }
0x96: {  	_ =	strace s3  }
0x97: {  	_ =	strace $0x8FFFFFFF  }
0x98: {  	s19 =	sld [smem:$0x3FDB];
	_ =	sdelay $0x1  }
0x99: {  	s4 =	simm.s32 $_scs_section_size  }
0x9a: {  	s5 =	simm.s32 $_size__tile_overlayer_lowered;
	s6 =	simm.s32 $_tile_overlayer_lowered  }
0x9b: {  	s22 =	simm.s32 $0x1BFF;
	s21 =	sshll.u32 s6, $0x1;
	s3 =	sadd.s32 s4, s19  }
0x9c: {  	s7 =	simm.s32 $0x0;
	s20 =	sshll.u32 s5, $0x1;
	s5 =	sadd.s32 s21, s3  }
0x9d: {  	[timem:s7], [sflag:s22] =	dma.local [hbm:s5], s20  }
0x9e: {  	_ =	swait.ge [sflag:s22], s20  }
0x9f: {  	s4 =	ssub.s32 $0x0, s20;
	[sflag:s22] =	ssyncset.done $0x0  }
0xa0: {  	[sflag:s22] =	ssyncadd.s32 s4;
	_ =	sdelay $0x1  }
0xa1: {  	s23 =	simm.s32 $0x1B8B  }
0xa2: {  	_ =	swait.ge [sflag:s23], $0x1  }
0xa3: {  	[sflag:s23] =	ssyncset.done $0x0  }
0xa4: {  	s25 =	simm.s32 $0x1B8E;
	s24 =	sld [smem:$0x3FFE];
	[sflag:s23] =	ssyncadd.s32 $0xFFFFFFFF  }
0xa5: {  	s26 =	simm.s32 $execute0_lowered;
	[smem:$0x3FD2] =	sst s25  }
0xa6: {  	s5 =	sshll.u32 s26, $0x1;
	_ =	strace $0x80000049;
	[dreg:$0x1] =	wrdreg $0xFFFFFFFF  }
0xa7: {  	s28 =	simm.s32 $_size_execute0_lowered;
	s3 =	sadd.s32 s3, s5;
	[dreg:$0x0] =	wrdreg $0x0  }
0xa8: {  	s5 =	sshll.u32 s28, $0x1;
	[dreg:$0x2] =	wrdreg s3  }
0xa9: {  	[dreg:$0x3] =	wrdreg s5  }
0xaa: {  	[dreg:$0x4] =	wrdreg $0xC0  }
0xab: {  	_ =	task [dreg:s7], $0x5FFFF  }
0xac: {  	[dreg:$0x1] =	wrdreg $0xFFFFFFFF  }
0xad: {  	[dreg:$0x0] =	wrdreg $0x60  }
0xae: {  	[dreg:$0x2] =	wrdreg s24  }
0xaf: {  	[dreg:$0x3] =	wrdreg s2  }
0xb0: {  	[dreg:$0x4] =	wrdreg $0x82000  }
0xb1: {  	[dreg:$0x5] =	wrdreg $0x9  }
0xb2: {  	_ =	task.clear_ibuf [dreg:s7], $0x6FFFF;
	_ =	strace $0x90000049  }
0xb3: {  	s29 =	simm.s32 $0x9;
	_ =	strace $0x8000004B  }
0xb4: {  	_ =	swait.ge [sflag:s29], $0x1  }
0xb5: {  	[sflag:s29] =	ssyncadd.s32 $0xFFFFFFFF  }
0xb6: {  	_ =	strace $0x9000004B  }
0xb7: {  	_ =	sfence  }
0xb8: {  	s30 =	sld [smem:$0x0];
	_ =	sdelay $0x2  }
0xb9: {  	s31 =	sshll.u32 s1, $0xD;
	s1 =	sshrl.u32 s1, $0x2  }
0xba: {  	s3 =	sand.u32 $0x4000, s31;
	s1 =	sadd.s32 s1, s30  }
0xbb: {  	s0 =	sor.u32 s3, s0;
	s1 =	sshll.u32 s1, $0x11  }
0xbc: {  	s0 =	sor.u32 s1, s0  }
0xbd: {  	s0 =	sadd.s32 $0x8F2B, s0  }
0xbe: {  	[sflag:s0] =	ssyncadd.remote.s32 $0x1  }
0xbf: {  	_ =	sfence.sel $0xFFFF  }
0xc0: {  	[dreg:$0x0] =	wrdreg $0xFFFFFFFF;
	(pc) =	sbr.abs _section_cstart, $3  }
0xc1: {  	[dreg:$0x1] =	wrdreg $0xFFFFFFFF  }
0xc2: {  	_ =	task.clear_ibuf [dreg:s7], $0x2FFFF;
	_ =	strace $0x9FFFFFFF  }
0xc3: {  	(tm) =	ssettm $0x7FFFFFFF  }
tec
execute0_lowered:
.L_overlay_start_1:
0x0: {  	(tag) =	ssettag $0x1  }
0x1: {  	s0 =	rddreg [dreg:$0x0]  }
0x2: {  	s2 =	rddreg [dreg:$0x1];
	s1 =	srdreg.scid  }
0x3: {  	s3 =	rddreg [dreg:$0x2];
	s10 =	stileid.u32  }
0x4: {  	s4 =	simm.s32 $0x0;
	s18 =	simm.s32 $0x7;
	s28 =	simm.s32 $0x4200  }
0x5: {  	s29 =	simm.s32 $0x5;
	s30 =	simm.s32 $0x6;
	s31 =	simm.s32 $0x0  }
0x6: {  	s1 =	sand.u32 $0x1, s1;
	s6 =	smul.u32 $0x14000, s10;
	[smem:$0x7FF] =	sst s4  }
0x7: {  	s16 =	sadd.s32 $0xC200, s0;
	s15 =	sadd.s32 $0x2000, s0;
	s9 =	smul.u32 $0x50000, s10  }
0x8: {  	s19 =	sadd.s32 $0x16400, s0;
	s8 =	sshll.u32 s10, $0x1;
	s11 =	smul.u32 $0x5000, s10  }
0x9: {  	s23 =	sshll.u32 s10, $0x6;
	s5 =	smul.u32 $0x140000, s1;
	_ =	strace $0x8000004A  }
0xa: {  	[dreg:$0x4] =	wrdreg s19;
	s7 =	ssub.s32 $0x2, s1;
	s8 =	sor.u32 s1, s8  }
0xb: {  	s1 =	smul.u32 $0x2800, s1;
	s19 =	simm.s32 $0x100;
	s20 =	sshrl.u32 s7, $0x1  }
0xc: {  	s21 =	smul.u32 $0x2800, s8;
	s22 =	sshrl.u32 s9, $0x2;
	s6 =	sadd.s32 s6, s5  }
0xd: {  	s12 =	ssub.s32 s7, s20;
	s17 =	sadd.s32 s22, s3;
	s1 =	sadd.s32 s1, s11  }
0xe: {  	s20 =	simm.s32 $0x80;
	s22 =	simm.s32 $0x1;
	s6 =	sshrl.u32 s6, $0x3  }
0xf: {  	s24 =	sshrl.u32 s21, $0x3;
	s26 =	sor.u32 $0x180, s1;
	s1 =	sor.u32 $0x100, s1  }
0x10: {  	s12 =	smax.u32 s12, $0x1;
	s17 =	sshrl.u32 s17, $0x3;
	s21 =	simm.s32 $0x180  }
0x11: {  	s0 =	sadd.s32 s6, s0;
	s6 =	sor.u32 $0x1C07, s23;
	s7 =	sadd.s32 s16, s24  }
0x12: {  	s8 =	sadd.s32 s15, s24;
	s25 =	sor.u32 $0x10, s24;
	s1 =	sshrl.u32 s1, $0x3  }
0x13: {  	s23 =	simm.s32 $0x3;
	s24 =	simm.s32 $0x200;
	s9 =	sadd.s32 s16, s25  }
0x14: {  	s10 =	sadd.s32 s15, s25;
	s11 =	sadd.s32 $0x18C00, s0;
	s0 =	sshrl.u32 s26, $0x3  }
0x15: {  	s25 =	simm.s32 $0x2;
	s26 =	simm.s32 $0x4;
	s13 =	sadd.s32 s0, s15  }
0x16: {  	s14 =	sadd.s32 s0, s16;
	s15 =	sadd.s32 s1, s15;
	s16 =	sadd.s32 s1, s16  }
.LBB2_1:
0x17: {  	s0 =	rddreg [dreg:$0x4]  }
0x18: {  	[spmem:s17], [sflag:s6] =	dma.local [hbm:s0], $0x2800  }
0x19: {  	_ =	swait.ge [sflag:s18], $0x2800  }
0x1a: {  	[sflag:s18] =	ssyncset.done $0x0  }
0x1b: {  	[sflag:s18] =	ssyncadd.s32 $0xFFFFD800  }
0x1c: {  	[bflag:$0x0] =	sbarrier.arrive $0xFFFF  }
0x1d: {  	[tilespmem:s4], [sflag:$0x1] =	stream.linear.gather [hbm4b:s7+s4], $0x80, $0x38;
	[tilespmem:$0x1C200] =	vst v63  }
0x1e: {  	_ = 	snop  }
0x1f: {  	[tilespmem:s19], [sflag:$0x3] =	stream.linear.gather [hbm4b:s8+s4], $0x80, $0x38;
	[tilespmem:$0x1C200] =	vst v63  }
0x20: {  	_ = 	snop  }
0x21: {  	[tilespmem:s20], [sflag:$0x2] =	stream.linear.gather [hbm4b:s9+s4], $0x80, $0x38;
	[tilespmem:$0x1C200] =	vst v63  }
0x22: {  	_ = 	snop  }
0x23: {  	[tilespmem:s21], [sflag:$0x4] =	stream.linear.gather [hbm4b:s10+s4], $0x80, $0x38;
	[tilespmem:$0x1C200] =	vst v63  }
0x24: {  	_ =	swait.ge [sflag:s22], $0x80  }
0x25: {  	[sflag:s22] =	ssyncset.done $0x0  }
0x26: {  	[sflag:s22] =	ssyncadd.s32 $0xFFFFFF80  }
0x27: {  	_ =	swait.ge [sflag:s23], $0x80  }
0x28: {  	[sflag:s23] =	ssyncset.done $0x0  }
0x29: {  	[sflag:s23] =	ssyncadd.s32 $0xFFFFFF80  }
0x2a: {  	[tilespmem:s24], [sflag:$0x5] =	stream.indirect.gather [hbm4b:s2+s20], $0x80, s4, s20, $0xb8;
	[tilespmem:$0x1C200] =	vst v63  }
0x2b: {  	_ =	swait.ge [sflag:s25], $0x80  }
0x2c: {  	[sflag:s25] =	ssyncset.done $0x0  }
0x2d: {  	[sflag:s25] =	ssyncadd.s32 $0xFFFFFF80  }
0x2e: {  	_ =	swait.ge [sflag:s26], $0x80  }
0x2f: {  	[sflag:s26] =	ssyncset.done $0x0  }
0x30: {  	[sflag:s26] =	ssyncadd.s32 $0xFFFFFF80  }
0x31: {  	[tilespmem:s28], [sflag:$0x6] =	stream.indirect.gather [hbm4b:s2+s20], $0x80, s20, s20, $0xb8;
	[tilespmem:$0x1C200] =	vst v63  }
0x32: {  	_ =	swait.ge [sflag:s29], $0x4000  }
0x33: {  	[sflag:s29] =	ssyncset.done $0x0  }
0x34: {  	[sflag:s29] =	ssyncadd.s32 $0xFFFFC000  }
0x35: {  	[spmem:s3] =	stream.indirect.scatter.add.f32 [tilespmem:s24], [sflag:$0x7], $0x80, s19, s20, $0xb8;
	[tilespmem:$0x1C200] =	vst v63  }
0x36: {  	_ =	swait.ge [sflag:s18], $0x4000  }
0x37: {  	[sflag:s18] =	ssyncset.done $0x0  }
0x38: {  	s5 =	sadd.s32 $0x0, s16;
	[sflag:s18] =	ssyncadd.s32 $0xFFFFC000  }
0x39: {  	[tilespmem:s4], [sflag:$0x1] =	stream.linear.gather [hbm4b:s5+s4], $0x80, $0x38;
	[tilespmem:$0x1C200] =	vst v63  }
0x3a: {  	s1 =	sadd.s32 $0x0, s15  }
0x3b: {  	[tilespmem:s19], [sflag:$0x3] =	stream.linear.gather [hbm4b:s1+s4], $0x80, $0x38;
	[tilespmem:$0x1C200] =	vst v63  }
0x3c: {  	_ =	swait.ge [sflag:s22], $0x80  }
0x3d: {  	[sflag:s22] =	ssyncset.done $0x0  }
0x3e: {  	[sflag:s22] =	ssyncadd.s32 $0xFFFFFF80  }
0x3f: {  	_ =	swait.ge [sflag:s23], $0x80  }
0x40: {  	[sflag:s23] =	ssyncset.done $0x0  }
0x41: {  	[sflag:s23] =	ssyncadd.s32 $0xFFFFFF80  }
0x42: {  	[tilespmem:s24], [sflag:$0x5] =	stream.indirect.gather [hbm4b:s2+s20], $0x80, s4, s20, $0xb8;
	[tilespmem:$0x1C200] =	vst v63  }
0x43: {  	_ =	swait.ge [sflag:s30], $0x4000  }
0x44: {  	[sflag:s30] =	ssyncset.done $0x0  }
0x45: {  	[sflag:s30] =	ssyncadd.s32 $0xFFFFC000  }
0x46: {  	[spmem:s3] =	stream.indirect.scatter.add.f32 [tilespmem:s28], [sflag:$0x7], $0x80, s21, s20, $0xb8;
	[tilespmem:$0x1C200] =	vst v63  }
0x47: {  	_ =	swait.ge [sflag:s18], $0x4000  }
0x48: {  	s0 =	simm.s32 $0x20;
	[sflag:s18] =	ssyncset.done $0x0  }
0x49: {  	s5 =	sadd.s32 $0x0, s14;
	s1 =	sadd.s32 $0x0, s13;
	[sflag:s18] =	ssyncadd.s32 $0xFFFFC000  }
0x4a: {  	[tilespmem:s20], [sflag:$0x2] =	stream.linear.gather [hbm4b:s5+s4], $0x80, $0x38;
	[tilespmem:$0x1C200] =	vst v63  }
.LBB2_2:
0x4b: {  	[tilespmem:s21], [sflag:$0x4] =	stream.linear.gather [hbm4b:s1+s4], $0x80, $0x38;
	[tilespmem:$0x1C200] =	vst v63  }
0x4c: {  	s1 =	smov.u32 s0  }
0x4d: {  	p0 =	sne.s32 s0, $0x4E0;
	s0 =	sadd.s32 $0x20, s0;
	_ =	swait.ge [sflag:s25], $0x80  }
0x4e: {  	[sflag:s25] =	ssyncset.done $0x0  }
0x4f: {  	[sflag:s25] =	ssyncadd.s32 $0xFFFFFF80  }
0x50: {  	_ =	swait.ge [sflag:s26], $0x80  }
0x51: {  	[sflag:s26] =	ssyncset.done $0x0  }
0x52: {  	[sflag:s26] =	ssyncadd.s32 $0xFFFFFF80  }
0x53: {  	[tilespmem:s28], [sflag:$0x6] =	stream.indirect.gather [hbm4b:s2+s20], $0x80, s20, s20, $0xb8;
	[tilespmem:$0x1C200] =	vst v63  }
0x54: {  	_ =	swait.ge [sflag:s29], $0x4000  }
0x55: {  	[sflag:s29] =	ssyncset.done $0x0  }
0x56: {  	[sflag:s29] =	ssyncadd.s32 $0xFFFFC000  }
0x57: {  	[spmem:s3] =	stream.indirect.scatter.add.f32 [tilespmem:s24], [sflag:$0x7], $0x80, s19, s20, $0xb8;
	[tilespmem:$0x1C200] =	vst v63  }
0x58: {  	_ =	swait.ge [sflag:s18], $0x4000  }
0x59: {  	[sflag:s18] =	ssyncset.done $0x0  }
0x5a: {  	s5 =	sadd.s32 s1, s16;
	[sflag:s18] =	ssyncadd.s32 $0xFFFFC000  }
0x5b: {  	[tilespmem:s4], [sflag:$0x1] =	stream.linear.gather [hbm4b:s5+s4], $0x80, $0x38;
	[tilespmem:$0x1C200] =	vst v63  }
0x5c: {  	s5 =	sadd.s32 s1, s15  }
0x5d: {  	[tilespmem:s19], [sflag:$0x3] =	stream.linear.gather [hbm4b:s5+s4], $0x80, $0x38;
	[tilespmem:$0x1C200] =	vst v63  }
0x5e: {  	_ =	swait.ge [sflag:s22], $0x80  }
0x5f: {  	[sflag:s22] =	ssyncset.done $0x0  }
0x60: {  	[sflag:s22] =	ssyncadd.s32 $0xFFFFFF80  }
0x61: {  	_ =	swait.ge [sflag:s23], $0x80  }
0x62: {  	[sflag:s23] =	ssyncset.done $0x0  }
0x63: {  	[sflag:s23] =	ssyncadd.s32 $0xFFFFFF80  }
0x64: {  	[tilespmem:s24], [sflag:$0x5] =	stream.indirect.gather [hbm4b:s2+s20], $0x80, s4, s20, $0xb8;
	[tilespmem:$0x1C200] =	vst v63  }
0x65: {  	_ =	swait.ge [sflag:s30], $0x4000  }
0x66: {  	[sflag:s30] =	ssyncset.done $0x0  }
0x67: {  	[sflag:s30] =	ssyncadd.s32 $0xFFFFC000  }
0x68: {  	[spmem:s3] =	stream.indirect.scatter.add.f32 [tilespmem:s28], [sflag:$0x7], $0x80, s21, s20, $0xb8;
	[tilespmem:$0x1C200] =	vst v63  }
.Ltmp0:
0x69: {  	_ =	swait.ge [sflag:s18], $0x4000;
	(pc) =	sbr.rel @p0 .LBB2_2-.Ltmp0, $4  }
0x6a: {  	[sflag:s18] =	ssyncset.done $0x0  }
0x6b: {  	s5 =	sadd.s32 s1, s14;
	[sflag:s18] =	ssyncadd.s32 $0xFFFFC000  }
0x6c: {  	[tilespmem:s20], [sflag:$0x2] =	stream.linear.gather [hbm4b:s5+s4], $0x80, $0x38;
	[tilespmem:$0x1C200] =	vst v63  }
0x6d: {  	s1 =	sadd.s32 s1, s13  }
0x6e: {  	[tilespmem:s21], [sflag:$0x4] =	stream.linear.gather [hbm4b:s1+s4], $0x80, $0x38;
	[tilespmem:$0x1C200] =	vst v63  }
0x6f: {  	_ =	swait.ge [sflag:s29], $0x4000  }
0x70: {  	[sflag:s29] =	ssyncset.done $0x0  }
0x71: {  	[sflag:s29] =	ssyncadd.s32 $0xFFFFC000  }
0x72: {  	_ =	swait.ge [sflag:s25], $0x80  }
0x73: {  	[sflag:s25] =	ssyncset.done $0x0  }
0x74: {  	[sflag:s25] =	ssyncadd.s32 $0xFFFFFF80  }
0x75: {  	_ =	swait.ge [sflag:s26], $0x80  }
0x76: {  	s31 =	sadd.s32 $0x1, s31;
	[sflag:s26] =	ssyncset.done $0x0  }
0x77: {  	p0 =	sne.s32 s31, s12;
	[sflag:s26] =	ssyncadd.s32 $0xFFFFFF80  }
.Ltmp1:
0x78: {  	[bflag:$0x0] =	sbarrier.arrive $0xFFFF;
	(pc) =	sbr.rel @p0 .LBB2_1-.Ltmp1, $4  }
0x79: {  	[hbm:s11], [sflag:s6] =	dma.local [spmem:s17], $0x2800  }
0x7a: {  	_ =	swait.ge [sflag:s18], $0x2800  }
0x7b: {  	[sflag:s18] =	ssyncset.done $0x0  }
0x7c: {  	[sflag:s18] =	ssyncadd.s32 $0xFFFFD800  }
0x7d: {  	_ =	sfence.sel $0x180000  }
0x7e: {  	[bflag:$0x0] =	sbarrier.arrive $0xFFFF  }
0x7f: {  	_ =	strace $0x9000004A  }
0x80: {  	s0 =	stileid.u32;
	[bflag:$0x2] =	sbarrier.arrive $0xFFFF  }
0x81: {  	p0 =	sne.s32 s0, $0x0;
	s0 =	rddreg [dreg:$0x3]  }
0x82: {  	s0 =	sadd.s32 @!p0 $0x100000, s0  }
0x83: {  	[sflag:s0] =	ssyncadd.tile.s32 @!p0 $0x1;
	_ =	shalt  }
.Lfunc_end2:
_tile_overlayer_lowered:
.L_overlay_start_2:
0x84: {  	(tag) =	ssettag $0x2  }
0x85: {  	s0 =	rddreg [dreg:$0x0];
	s2 =	stileid.u32  }
0x86: {  	s1 =	rddreg [dreg:$0x1];
	p0 =	sne.s32 s2, $0x0  }
0x87: {  	s3 =	rddreg [dreg:$0x2];
	[bflag:$0x3] =	sbarrier.arrive $0xFFFF;
	s2 =	simm.s32 @!p0 $0x1C07  }
0x88: {  	[timem:s3], [sflag:s2] =	dma.local @!p0 [hbm:s0], s1  }
0x89: {  	s0 =	simm.s32 @!p0 $0x7  }
0x8a: {  	_ =	swait.ge @!p0 [sflag:s0], s1  }
0x8b: {  	s1 =	ssub.s32 @!p0 $0x0, s1;
	[sflag:s0] =	ssyncset.done @!p0 $0x0  }
0x8c: {  	[sflag:s0] =	ssyncadd.s32 @!p0 s1  }
0x8d: {  	[bflag:$0x3] =	sbarrier.arrive $0xFFFF  }
0x8e: {  	_ =	shalt  }

</sc_bundles>
